<compile_context>
chip_gen: v7x
topology: tpu7x:2x2x1
jax: 0.10.2.dev20260603
libtpu: 0.0.44.dev20260713+nightly
codegen_flags: <defaults>
</compile_context>

<pallas_src>
import math

import jax
import jax.numpy as jnp
from jax import lax
from jax.experimental import pallas as pl
from jax.experimental.pallas import tpu as pltpu
from jax.experimental.pallas import tpu_sc as plsc

B, Q, Z = 2, 4096, 2048
D, H, K, L, OUT = 256, 8, 16, 2, 64
DH = D // H
BQ = B * Q
D2 = D // 2

NQ1 = 256
NQ2 = 128
NW = 32
CHUNK = 128
DE = 384
TWO_PI = 2.0 * math.pi



def _knn_body(qp_ref, lpt_ref, idx_ref):
    b = pl.program_id(0) // (Q // NQ1)
    qx = qp_ref[:, 0:1]
    qy = qp_ref[:, 1:2]
    lx = lpt_ref[0, 0:1, :]
    ly = lpt_ref[0, 1:2, :]
    dx = qx - lx
    dy = qy - ly
    d2 = dx * dx + dy * dy
    iota = lax.broadcasted_iota(jnp.int32, (NQ1, Z), 1).astype(jnp.float32)
    cur = d2
    cols = []
    for k in range(K):
        m = jnp.min(cur, axis=1, keepdims=True)
        cand = jnp.where(cur == m, iota, jnp.float32(Z))
        amin = jnp.min(cand, axis=1, keepdims=True)
        cols.append(amin.astype(jnp.int32) + b * Z)
        cur = jnp.where(cand == amin, jnp.float32(jnp.inf), cur)
    idx_ref[...] = jnp.concatenate(cols, axis=-1)


_knn_call = pl.pallas_call(
    _knn_body,
    grid=(BQ // NQ1,),
    in_specs=[
        pl.BlockSpec((NQ1, 2), lambda i: (i, 0)),
        pl.BlockSpec((1, 2, Z), lambda i: (i // (Q // NQ1), 0, 0)),
    ],
    out_specs=pl.BlockSpec((NQ1, K), lambda i: (i, 0)),
    out_shape=jax.ShapeDtypeStruct((BQ, K), jnp.int32),
)



def _sc_gather_body(tab_ref, idx_ref, out_ref, idx0, idx1, buf0, buf1,
                    sem0, sem1):
    wid = lax.axis_index("s") * 2 + lax.axis_index("c")
    per_w = (BQ * K) // NW
    base = wid * per_w
    npairs = per_w // CHUNK // 2

    pltpu.sync_copy(idx_ref.at[pl.ds(base, CHUNK)], idx0)
    pltpu.async_copy(tab_ref.at[idx0], buf0, sem0)

    def body(j, carry):
        c0 = base + (2 * j) * CHUNK
        c1 = c0 + CHUNK
        pltpu.sync_copy(idx_ref.at[pl.ds(c1, CHUNK)], idx1)
        pltpu.async_copy(tab_ref.at[idx1], buf1, sem1)
        pltpu.make_async_copy(tab_ref.at[idx0], buf0, sem0).wait()
        pltpu.sync_copy(buf0, out_ref.at[pl.ds(c0, CHUNK)])

        @pl.when(j < npairs - 1)
        def _():
            pltpu.sync_copy(idx_ref.at[pl.ds(c0 + 2 * CHUNK, CHUNK)], idx0)
            pltpu.async_copy(tab_ref.at[idx0], buf0, sem0)

        pltpu.make_async_copy(tab_ref.at[idx1], buf1, sem1).wait()
        pltpu.sync_copy(buf1, out_ref.at[pl.ds(c1, CHUNK)])
        return carry

    lax.fori_loop(0, npairs, body, 0)


def _make_gather_call():
    return pl.kernel(
        _sc_gather_body,
        out_type=jax.ShapeDtypeStruct((BQ * K, DE), jnp.float32),
        mesh=plsc.VectorSubcoreMesh(core_axis_name="c", subcore_axis_name="s"),
        scratch_types=[
            pltpu.VMEM((CHUNK,), jnp.int32),
            pltpu.VMEM((CHUNK,), jnp.int32),
            pltpu.VMEM((CHUNK, DE), jnp.float32),
            pltpu.VMEM((CHUNK, DE), jnp.float32),
            pltpu.SemaphoreType.DMA,
            pltpu.SemaphoreType.DMA,
        ],
    )



def _sincos(x):
    hx = 0.5 * x
    u = hx * hx
    s = hx * (1.0 + u * (-1.0 / 6 + u * (1.0 / 120 + u * (-1.0 / 5040
        + u * (1.0 / 362880 - u / 39916800)))))
    c = 1.0 + u * (-0.5 + u * (1.0 / 24 + u * (-1.0 / 720 + u * (1.0 / 40320
        + u * (-1.0 / 3628800 + u / 479001600)))))
    sc = 2.0 * s * c
    return sc, 1.0 - 2.0 * s * s


def _ln(x, g, b):
    m = jnp.mean(x, axis=-1, keepdims=True)
    xc = x - m
    v = jnp.mean(xc * xc, axis=-1, keepdims=True)
    return xc / jnp.sqrt(v + 1e-5) * g + b


def _attn_body(qp_ref, ctx_ref, bqf_ref, s_ref, st_ref, *rest):
    w_refs = rest[:-1]
    out_ref = rest[-1]
    qp2 = qp_ref[...]
    Bq = bqf_ref[...]
    proj = jnp.dot(qp2, Bq, preferred_element_type=jnp.float32)
    hs, hc = _sincos(proj)
    h = jnp.concatenate([hs, hc], axis=-1)
    ext = ctx_ref[...]
    ctx = ext[:, :D]
    qpf = jnp.broadcast_to(qp2.reshape(NQ2, 1, 2),
                           (NQ2, K, 2)).reshape(NQ2 * K, 2)
    rel = ext[:, D:D + 2] - qpf
    S = s_ref[...]
    ST = st_ref[...]
    wi = 0
    for _ in range(L):
        (Bc, Wq, bq, Wk, bk, Wv, bv, Wo, bo, g1, b1n, W1, bb1, W2, bb2,
         g2, b2n) = (w_refs[wi + j][...] for j in range(17))
        wi += 17
        pj = jnp.dot(rel, Bc, preferred_element_type=jnp.float32)
        ps, pc = _sincos(pj)
        pe = jnp.concatenate([ps, pc], axis=-1)
        kv = ctx + pe
        q = jnp.dot(h, Wq, preferred_element_type=jnp.float32) + bq
        k = jnp.dot(kv, Wk, preferred_element_type=jnp.float32) + bk
        v = jnp.dot(kv, Wv, preferred_element_type=jnp.float32) + bv
        qe = jnp.broadcast_to(q.reshape(NQ2, 1, D), (NQ2, K, D)).reshape(NQ2 * K, D)
        lg = jnp.dot(qe * k, S, preferred_element_type=jnp.float32)
        lg3 = lg.reshape(NQ2, K, H)
        m = jnp.max(lg3, axis=1, keepdims=True)
        e = jnp.exp(lg3 - m)
        a3 = e / jnp.sum(e, axis=1, keepdims=True)
        A = jnp.dot(a3.reshape(NQ2 * K, H), ST,
                    preferred_element_type=jnp.float32)
        o = jnp.sum((A * v).reshape(NQ2, K, D), axis=1)
        delta = jnp.dot(o, Wo, preferred_element_type=jnp.float32) + bo
        h = _ln(h + delta, g1, b1n)
        mid = jax.nn.gelu(jnp.dot(h, W1, preferred_element_type=jnp.float32) + bb1)
        ffn = jnp.dot(mid, W2, preferred_element_type=jnp.float32) + bb2
        h = _ln(h + ffn, g2, b2n)
    Wf = w_refs[wi][...]
    bf = w_refs[wi + 1][...]
    out_ref[...] = jnp.dot(h, Wf, preferred_element_type=jnp.float32) + bf


def _full_spec(shape):
    n = len(shape)
    return pl.BlockSpec(shape, lambda *_, __n=n: (0,) * __n)


_W_SHAPES = ([(2, D2), (D, H), (H, D)]
             + [(2, D2), (D, D), (1, D), (D, D), (1, D), (D, D), (1, D),
                (D, D), (1, D), (1, D), (1, D), (D, 4 * D), (1, 4 * D),
                (4 * D, D), (1, D), (1, D), (1, D)] * L
             + [(D, OUT), (1, OUT)])

_attn_call = pl.pallas_call(
    _attn_body,
    grid=(BQ // NQ2,),
    in_specs=([
        pl.BlockSpec((NQ2, 2), lambda i: (i, 0)),
        pl.BlockSpec((NQ2 * K, DE), lambda i: (i, 0)),
    ] + [_full_spec(s) for s in _W_SHAPES]),
    out_specs=pl.BlockSpec((NQ2, OUT), lambda i: (i, 0)),
    out_shape=jax.ShapeDtypeStruct((BQ, OUT), jnp.float32),
)



def _seg_mats():
    eye = jnp.eye(H, dtype=jnp.float32)
    seg = jnp.repeat(eye, DH, axis=0)
    S = seg * (1.0 / math.sqrt(DH))
    ST = seg.T
    return S, ST


def _prep_weights(p):
    ws = []
    for l in range(L):
        ws += [TWO_PI * p['rff_B_ctx%d' % l],
               p['Wq%d' % l], p['Wqb%d' % l].reshape(1, D),
               p['Wk%d' % l], p['Wkb%d' % l].reshape(1, D),
               p['Wv%d' % l], p['Wvb%d' % l].reshape(1, D),
               p['Wo%d' % l], p['Wob%d' % l].reshape(1, D),
               p['ln1g%d' % l].reshape(1, D), p['ln1b%d' % l].reshape(1, D),
               p['W1_%d' % l], p['b1_%d' % l].reshape(1, 4 * D),
               p['W2_%d' % l], p['b2_%d' % l].reshape(1, D),
               p['ln2g%d' % l].reshape(1, D), p['ln2b%d' % l].reshape(1, D)]
    ws += [p['Wf'], p['bf'].reshape(1, OUT)]
    return ws


def kernel(query_pos, latents, latent_pos, params):
    qp = query_pos.reshape(BQ, 2)
    lpt = latent_pos.transpose(0, 2, 1)
    tab = jnp.concatenate(
        [latents.reshape(B * Z, D), latent_pos.reshape(B * Z, 2),
         jnp.zeros((B * Z, DE - D - 2), jnp.float32)], axis=-1)
    gidx = _knn_call(qp, lpt)
    ctx = _make_gather_call()(tab, gidx.reshape(BQ * K))
    ws = _prep_weights(params)
    S, ST = _seg_mats()
    out = _attn_call(qp, ctx, TWO_PI * params['rff_B_q'], S, ST, *ws)
    return out.reshape(B, Q, OUT)

# --- scband reference (transcript-rebuilt; emitter-appended) ---
"""Pipeline reference for scband-neural-field-super-res-36266703848123 (READ-ONLY COPY).

The authoritative reference and input builder live on the scoring server;
editing this copy changes nothing except your own understanding.
"""

import jax, jax.numpy as jnp
import numpy as np

B, Q, Z = 2, 4096, 2048
D, H, K, L, OUT = 256, 8, 16, 2, 64
DH = D // H


def rff(pos, Bm):
    proj = 2.0 * jnp.pi * pos @ Bm
    return jnp.concatenate([jnp.sin(proj), jnp.cos(proj)], axis=-1)


def layer_norm(x, g, b, eps=1e-5):
    m = jnp.mean(x, axis=-1, keepdims=True)
    v = jnp.var(x, axis=-1, keepdims=True)
    return (x - m) / jnp.sqrt(v + eps) * g + b


def setup_inputs(seed: int = 0):
    key = jax.random.key(seed)
    ks = jax.random.split(key, 64)
    inp = {
        'query_pos': jax.random.uniform(ks[0], (B, Q, 2), dtype=jnp.float32),
        'latents': jax.random.normal(ks[1], (B, Z, D), dtype=jnp.float32) * 0.02,
        'latent_pos': jax.random.uniform(ks[2], (B, Z, 2), dtype=jnp.float32),
    }
    params = {}
    params['rff_B_q'] = jax.random.normal(ks[3], (2, D // 2), dtype=jnp.float32) * 0.02
    i = 4
    for l in range(L):
        params['rff_B_ctx%d' % l] = jax.random.normal(ks[i], (2, D // 2), dtype=jnp.float32) * 0.02; i += 1
        for nm in ('Wq', 'Wk', 'Wv', 'Wo'):
            params['%s%d' % (nm, l)] = jax.random.normal(ks[i], (D, D), dtype=jnp.float32) * (D ** -0.5); i += 1
            params['%sb%d' % (nm, l)] = jnp.zeros((D,), jnp.float32)
        params['ln1g%d' % l] = jnp.ones((D,), jnp.float32)
        params['ln1b%d' % l] = jnp.zeros((D,), jnp.float32)
        params['W1_%d' % l] = jax.random.normal(ks[i], (D, 4 * D), dtype=jnp.float32) * (D ** -0.5); i += 1
        params['b1_%d' % l] = jnp.zeros((4 * D,), jnp.float32)
        params['W2_%d' % l] = jax.random.normal(ks[i], (4 * D, D), dtype=jnp.float32) * ((4 * D) ** -0.5); i += 1
        params['b2_%d' % l] = jnp.zeros((D,), jnp.float32)
        params['ln2g%d' % l] = jnp.ones((D,), jnp.float32)
        params['ln2b%d' % l] = jnp.zeros((D,), jnp.float32)
    params['Wf'] = jax.random.normal(ks[i], (D, OUT), dtype=jnp.float32) * (D ** -0.5)
    params['bf'] = jnp.zeros((OUT,), jnp.float32)
    inp['params'] = params
    return inp


def _forward(query_pos, latents, latent_pos, params):
    p = params
    # query positional encoding (learnable random Fourier features)
    h = rff(query_pos, p['rff_B_q'])  # [B, Q, D]
    # brute-force kNN of each query against latent positions
    d2 = jnp.sum((query_pos[:, :, None, :] - latent_pos[:, None, :, :]) ** 2, axis=-1)  # [B, Q, Z]
    _, idx = jax.lax.top_k(-d2, K)  # [B, Q, K]
    ctx = jax.vmap(lambda lat, ix: lat[ix])(latents, idx)       # [B, Q, K, D]
    ctx_pos = jax.vmap(lambda lp, ix: lp[ix])(latent_pos, idx)  # [B, Q, K, 2]
    rel = ctx_pos - query_pos[:, :, None, :]
    for l in range(L):
        pe = rff(rel, p['rff_B_ctx%d' % l])  # [B, Q, K, D]
        kv_in = ctx + pe
        q = (h @ p['Wq%d' % l] + p['Wqb%d' % l]).reshape(B, Q, H, DH)
        k = (kv_in @ p['Wk%d' % l] + p['Wkb%d' % l]).reshape(B, Q, K, H, DH)
        v = (kv_in @ p['Wv%d' % l] + p['Wvb%d' % l]).reshape(B, Q, K, H, DH)
        logits = jnp.einsum('bqhd,bqkhd->bqhk', q, k) / np.sqrt(DH)
        attn = jax.nn.softmax(logits, axis=-1)
        o = jnp.einsum('bqhk,bqkhd->bqhd', attn, v).reshape(B, Q, D)
        delta = o @ p['Wo%d' % l] + p['Wob%d' % l]
        h = layer_norm(h + delta, p['ln1g%d' % l], p['ln1b%d' % l])
        ffn = jax.nn.gelu(h @ p['W1_%d' % l] + p['b1_%d' % l]) @ p['W2_%d' % l] + p['b2_%d' % l]
        h = layer_norm(h + ffn, p['ln2g%d' % l], p['ln2b%d' % l])
    return h @ p['Wf'] + p['bf']  # [B, Q, OUT]


def reference(query_pos, latents, latent_pos, params):
    return _forward(query_pos, latents, latent_pos, params)

if __name__ == "__main__":
    import jax
    _d = setup_inputs()
    print(jax.jit(kernel)(*tuple(_d.values())))

</pallas_src>

<mosaic_0001>
#map = affine_map<(d0, d1) -> (0, 0)>
#map1 = affine_map<(d0, d1) -> (0)>
module attributes {stable_mosaic.version = 14 : i64} {
  func.func @_sc_gather_body(%arg0: i32, %arg1: i32, %arg2: memref<4096x384xf32, #tpu.memory_space<hbm>>, %arg3: memref<131072xi32, #tpu.memory_space<hbm>>, %arg4: memref<131072x384xf32, #tpu.memory_space<hbm>>, %arg5: memref<128xi32, #tpu.memory_space<vmem>>, %arg6: memref<128xi32, #tpu.memory_space<vmem>>, %arg7: memref<128x384xf32, #tpu.memory_space<vmem>>, %arg8: memref<128x384xf32, #tpu.memory_space<vmem>>, %arg9: memref<!tpu.dma_semaphore, #tpu.memory_space<semaphore_mem>>, %arg10: memref<!tpu.dma_semaphore, #tpu.memory_space<semaphore_mem>>) attributes {dimension_semantics = [#tpu.dimension_semantics<core_parallel>, #tpu.dimension_semantics<subcore_parallel>], iteration_bounds = array<i64: 2, 16>, scalar_prefetch = 0 : i64, scratch_operands = 6 : i64, tpu.core_type = #tpu.core_type<sc_vector_subcore>, window_params = [{transform_indices = #map}, {transform_indices = #map1}, {transform_indices = #map}]} {
    %mul3A = arith.constant 2 : i32
    %mul3A_0 = arith.muli %arg1, %mul3A : i32
    %add3A = arith.addi %mul3A_0, %arg0 : i32
    %mul3A_1 = arith.constant 4096 : i32
    %mul3A_2 = arith.muli %add3A, %mul3A_1 : i32
    "tpu.region"() ({
      %run_scoped3A = tpu.sem_alloc : memref<!tpu.dma_semaphore, #tpu.memory_space<semaphore_mem>>
      %dma_start3A_10 = tpu.memref_slice %arg3[%mul3A_2] : memref<131072xi32, #tpu.memory_space<hbm>> -> memref<128xi32, #tpu.memory_space<hbm>>
      %dma_start3A_11 = tpu.memref_slice %arg3[%mul3A_2] : memref<131072xi32, #tpu.memory_space<hbm>> -> memref<128xi32, #tpu.memory_space<hbm>>
      tpu.enqueue_dma source(%dma_start3A_11 : memref<128xi32, #tpu.memory_space<hbm>>) target(%arg5 : memref<128xi32, #tpu.memory_space<vmem>>) target_semaphore(%run_scoped3A : memref<!tpu.dma_semaphore, #tpu.memory_space<semaphore_mem>>)
      %dma_wait3A = tpu.memref_slice %arg3[%mul3A_2] : memref<131072xi32, #tpu.memory_space<hbm>> -> memref<128xi32, #tpu.memory_space<hbm>>
      %dma_wait3A_12 = tpu.memref_slice %arg3[%mul3A_2] : memref<131072xi32, #tpu.memory_space<hbm>> -> memref<128xi32, #tpu.memory_space<hbm>>
      tpu.wait_dma2 semaphore(%run_scoped3A : memref<!tpu.dma_semaphore, #tpu.memory_space<semaphore_mem>>) src(%dma_wait3A_12 : memref<128xi32, #tpu.memory_space<hbm>>) dst(%arg5 : memref<128xi32, #tpu.memory_space<vmem>>)
      tpu.yield
    }) : () -> ()
    %dma_start3A = arith.constant 0 : i32
    %dma_start3A_3 = arith.constant 0 : i32
    %dma_start3A_4 = tpu.memref_slice %arg2[%dma_start3A, %dma_start3A_3] : memref<4096x384xf32, #tpu.memory_space<hbm>> -> memref<4096x384xf32, #tpu.memory_space<hbm>>
    tpu.enqueue_indirect_dma source(%dma_start3A_4 : memref<4096x384xf32, #tpu.memory_space<hbm>>) target(%arg7 : memref<128x384xf32, #tpu.memory_space<vmem>>) offsets(%arg5 : memref<128xi32, #tpu.memory_space<vmem>>) semaphore(%arg9 : memref<!tpu.dma_semaphore, #tpu.memory_space<semaphore_mem>>)
    %scan3A = arith.constant 0 : i32
    %scan3A_5 = arith.constant 0 : i32
    %scan3A_6 = arith.constant 16 : i32
    %scan3A_7 = arith.addi %scan3A_5, %scan3A_6 : i32
    %scan3A_8 = arith.constant 1 : i32
    scf.for %scan3A_10 = %scan3A_5 to %scan3A_7 step %scan3A_8  : i32 {
      %mul3A_11 = arith.constant 2 : i32
      %mul3A_12 = arith.muli %mul3A_11, %scan3A_10 : i32
      %mul3A_13 = arith.constant 128 : i32
      %mul3A_14 = arith.muli %mul3A_12, %mul3A_13 : i32
      %add3A_15 = arith.addi %mul3A_2, %mul3A_14 : i32
      %add3A_16 = arith.constant 128 : i32
      %add3A_17 = arith.addi %add3A_15, %add3A_16 : i32
      "tpu.region"() ({
        %run_scoped3A = tpu.sem_alloc : memref<!tpu.dma_semaphore, #tpu.memory_space<semaphore_mem>>
        %dma_start3A_28 = tpu.memref_slice %arg3[%add3A_17] : memref<131072xi32, #tpu.memory_space<hbm>> -> memref<128xi32, #tpu.memory_space<hbm>>
        %dma_start3A_29 = tpu.memref_slice %arg3[%add3A_17] : memref<131072xi32, #tpu.memory_space<hbm>> -> memref<128xi32, #tpu.memory_space<hbm>>
        tpu.enqueue_dma source(%dma_start3A_29 : memref<128xi32, #tpu.memory_space<hbm>>) target(%arg6 : memref<128xi32, #tpu.memory_space<vmem>>) target_semaphore(%run_scoped3A : memref<!tpu.dma_semaphore, #tpu.memory_space<semaphore_mem>>)
        %dma_wait3A_30 = tpu.memref_slice %arg3[%add3A_17] : memref<131072xi32, #tpu.memory_space<hbm>> -> memref<128xi32, #tpu.memory_space<hbm>>
        %dma_wait3A_31 = tpu.memref_slice %arg3[%add3A_17] : memref<131072xi32, #tpu.memory_space<hbm>> -> memref<128xi32, #tpu.memory_space<hbm>>
        tpu.wait_dma2 semaphore(%run_scoped3A : memref<!tpu.dma_semaphore, #tpu.memory_space<semaphore_mem>>) src(%dma_wait3A_31 : memref<128xi32, #tpu.memory_space<hbm>>) dst(%arg6 : memref<128xi32, #tpu.memory_space<vmem>>)
        tpu.yield
      }) : () -> ()
      %dma_start3A_18 = arith.constant 0 : i32
      %dma_start3A_19 = arith.constant 0 : i32
      %dma_start3A_20 = tpu.memref_slice %arg2[%dma_start3A_18, %dma_start3A_19] : memref<4096x384xf32, #tpu.memory_space<hbm>> -> memref<4096x384xf32, #tpu.memory_space<hbm>>
      tpu.enqueue_indirect_dma source(%dma_start3A_20 : memref<4096x384xf32, #tpu.memory_space<hbm>>) target(%arg8 : memref<128x384xf32, #tpu.memory_space<vmem>>) offsets(%arg6 : memref<128xi32, #tpu.memory_space<vmem>>) semaphore(%arg10 : memref<!tpu.dma_semaphore, #tpu.memory_space<semaphore_mem>>)
      %dma_wait3A = arith.constant 0 : i32
      %dma_wait3A_21 = arith.constant 0 : i32
      %dma_wait3A_22 = tpu.memref_slice %arg2[%dma_wait3A, %dma_wait3A_21] : memref<4096x384xf32, #tpu.memory_space<hbm>> -> memref<4096x384xf32, #tpu.memory_space<hbm>>
      tpu.wait_indirect_dma semaphore(%arg9 : memref<!tpu.dma_semaphore, #tpu.memory_space<semaphore_mem>>) src(%dma_wait3A_22 : memref<4096x384xf32, #tpu.memory_space<hbm>>) dst(%arg7 : memref<128x384xf32, #tpu.memory_space<vmem>>)
      "tpu.region"() ({
        %run_scoped3A = tpu.sem_alloc : memref<!tpu.dma_semaphore, #tpu.memory_space<semaphore_mem>>
        %dma_start3A_28 = arith.constant 0 : i32
        %dma_start3A_29 = tpu.memref_slice %arg4[%add3A_15, %dma_start3A_28] : memref<131072x384xf32, #tpu.memory_space<hbm>> -> memref<128x384xf32, #tpu.memory_space<hbm>>
        %dma_start3A_30 = arith.constant 0 : i32
        %dma_start3A_31 = tpu.memref_slice %arg4[%add3A_15, %dma_start3A_30] : memref<131072x384xf32, #tpu.memory_space<hbm>> -> memref<128x384xf32, #tpu.memory_space<hbm>>
        tpu.enqueue_dma source(%arg7 : memref<128x384xf32, #tpu.memory_space<vmem>>) target(%dma_start3A_31 : memref<128x384xf32, #tpu.memory_space<hbm>>) target_semaphore(%run_scoped3A : memref<!tpu.dma_semaphore, #tpu.memory_space<semaphore_mem>>)
        %dma_wait3A_32 = arith.constant 0 : i32
        %dma_wait3A_33 = tpu.memref_slice %arg4[%add3A_15, %dma_wait3A_32] : memref<131072x384xf32, #tpu.memory_space<hbm>> -> memref<128x384xf32, #tpu.memory_space<hbm>>
        %dma_wait3A_34 = arith.constant 0 : i32
        %dma_wait3A_35 = tpu.memref_slice %arg4[%add3A_15, %dma_wait3A_34] : memref<131072x384xf32, #tpu.memory_space<hbm>> -> memref<128x384xf32, #tpu.memory_space<hbm>>
        tpu.wait_dma2 semaphore(%run_scoped3A : memref<!tpu.dma_semaphore, #tpu.memory_space<semaphore_mem>>) src(%arg7 : memref<128x384xf32, #tpu.memory_space<vmem>>) dst(%dma_wait3A_35 : memref<128x384xf32, #tpu.memory_space<hbm>>)
        tpu.yield
      }) : () -> ()
      %lt3A = arith.constant 15 : i32
      %lt3A_23 = arith.cmpi slt, %scan3A_10, %lt3A : i32
      %convert_element_type3A = arith.extui %lt3A_23 : i1 to i32
      %cond3A = arith.constant 0 : i32
      %cond3A_24 = arith.cmpi ne, %convert_element_type3A, %cond3A : i32
      scf.if %cond3A_24 {
        %add3A_28 = arith.constant 256 : i32
        %add3A_29 = arith.addi %add3A_15, %add3A_28 : i32
        "tpu.region"() ({
          %run_scoped3A = tpu.sem_alloc : memref<!tpu.dma_semaphore, #tpu.memory_space<semaphore_mem>>
          %dma_start3A_33 = tpu.memref_slice %arg3[%add3A_29] : memref<131072xi32, #tpu.memory_space<hbm>> -> memref<128xi32, #tpu.memory_space<hbm>>
          %dma_start3A_34 = tpu.memref_slice %arg3[%add3A_29] : memref<131072xi32, #tpu.memory_space<hbm>> -> memref<128xi32, #tpu.memory_space<hbm>>
          tpu.enqueue_dma source(%dma_start3A_34 : memref<128xi32, #tpu.memory_space<hbm>>) target(%arg5 : memref<128xi32, #tpu.memory_space<vmem>>) target_semaphore(%run_scoped3A : memref<!tpu.dma_semaphore, #tpu.memory_space<semaphore_mem>>)
          %dma_wait3A_35 = tpu.memref_slice %arg3[%add3A_29] : memref<131072xi32, #tpu.memory_space<hbm>> -> memref<128xi32, #tpu.memory_space<hbm>>
          %dma_wait3A_36 = tpu.memref_slice %arg3[%add3A_29] : memref<131072xi32, #tpu.memory_space<hbm>> -> memref<128xi32, #tpu.memory_space<hbm>>
          tpu.wait_dma2 semaphore(%run_scoped3A : memref<!tpu.dma_semaphore, #tpu.memory_space<semaphore_mem>>) src(%dma_wait3A_36 : memref<128xi32, #tpu.memory_space<hbm>>) dst(%arg5 : memref<128xi32, #tpu.memory_space<vmem>>)
          tpu.yield
        }) : () -> ()
        %dma_start3A_30 = arith.constant 0 : i32
        %dma_start3A_31 = arith.constant 0 : i32
        %dma_start3A_32 = tpu.memref_slice %arg2[%dma_start3A_30, %dma_start3A_31] : memref<4096x384xf32, #tpu.memory_space<hbm>> -> memref<4096x384xf32, #tpu.memory_space<hbm>>
        tpu.enqueue_indirect_dma source(%dma_start3A_32 : memref<4096x384xf32, #tpu.memory_space<hbm>>) target(%arg7 : memref<128x384xf32, #tpu.memory_space<vmem>>) offsets(%arg5 : memref<128xi32, #tpu.memory_space<vmem>>) semaphore(%arg9 : memref<!tpu.dma_semaphore, #tpu.memory_space<semaphore_mem>>)
      } else {
      }
      %dma_wait3A_25 = arith.constant 0 : i32
      %dma_wait3A_26 = arith.constant 0 : i32
      %dma_wait3A_27 = tpu.memref_slice %arg2[%dma_wait3A_25, %dma_wait3A_26] : memref<4096x384xf32, #tpu.memory_space<hbm>> -> memref<4096x384xf32, #tpu.memory_space<hbm>>
      tpu.wait_indirect_dma semaphore(%arg10 : memref<!tpu.dma_semaphore, #tpu.memory_space<semaphore_mem>>) src(%dma_wait3A_27 : memref<4096x384xf32, #tpu.memory_space<hbm>>) dst(%arg8 : memref<128x384xf32, #tpu.memory_space<vmem>>)
      "tpu.region"() ({
        %run_scoped3A = tpu.sem_alloc : memref<!tpu.dma_semaphore, #tpu.memory_space<semaphore_mem>>
        %dma_start3A_28 = arith.constant 0 : i32
        %dma_start3A_29 = tpu.memref_slice %arg4[%add3A_17, %dma_start3A_28] : memref<131072x384xf32, #tpu.memory_space<hbm>> -> memref<128x384xf32, #tpu.memory_space<hbm>>
        %dma_start3A_30 = arith.constant 0 : i32
        %dma_start3A_31 = tpu.memref_slice %arg4[%add3A_17, %dma_start3A_30] : memref<131072x384xf32, #tpu.memory_space<hbm>> -> memref<128x384xf32, #tpu.memory_space<hbm>>
        tpu.enqueue_dma source(%arg8 : memref<128x384xf32, #tpu.memory_space<vmem>>) target(%dma_start3A_31 : memref<128x384xf32, #tpu.memory_space<hbm>>) target_semaphore(%run_scoped3A : memref<!tpu.dma_semaphore, #tpu.memory_space<semaphore_mem>>)
        %dma_wait3A_32 = arith.constant 0 : i32
        %dma_wait3A_33 = tpu.memref_slice %arg4[%add3A_17, %dma_wait3A_32] : memref<131072x384xf32, #tpu.memory_space<hbm>> -> memref<128x384xf32, #tpu.memory_space<hbm>>
        %dma_wait3A_34 = arith.constant 0 : i32
        %dma_wait3A_35 = tpu.memref_slice %arg4[%add3A_17, %dma_wait3A_34] : memref<131072x384xf32, #tpu.memory_space<hbm>> -> memref<128x384xf32, #tpu.memory_space<hbm>>
        tpu.wait_dma2 semaphore(%run_scoped3A : memref<!tpu.dma_semaphore, #tpu.memory_space<semaphore_mem>>) src(%arg8 : memref<128x384xf32, #tpu.memory_space<vmem>>) dst(%dma_wait3A_35 : memref<128x384xf32, #tpu.memory_space<hbm>>)
        tpu.yield
      }) : () -> ()
    }
    %scan3A_9 = arith.constant 16 : i32
    return
  }
}

module attributes {stable_mosaic.version = 14 : i64} {
  func.func @_knn_body(%arg0: i32, %arg1: memref<256x2xf32, #tpu.memory_space<vmem>>, %arg2: memref<1x2x2048xf32, #tpu.memory_space<vmem>>, %arg3: memref<256x16xi32, #tpu.memory_space<vmem>>) attributes {dimension_semantics = [#tpu.dimension_semantics<arbitrary>], iteration_bounds = array<i64: 32>, scalar_prefetch = 0 : i64, scratch_operands = 0 : i64, tpu.core_type = #tpu.core_type<tc>, window_params = [{transform_indices = @transform_0, window_bounds = array<i64: 256, 2>}, {transform_indices = @transform_1, window_bounds = array<i64: 1, 2, 2048>}, {transform_indices = @transform_2, window_bounds = array<i64: 256, 16>}]} {
    %jit3A = arith.constant 16 : i32
    %div3A = arith.divsi %arg0, %jit3A : i32
    %sign3A = arith.constant 0 : i32
    %sign3A_0 = arith.cmpi sgt, %arg0, %sign3A : i32
    %sign3A_1 = arith.extui %sign3A_0 : i1 to i32
    %sign3A_2 = arith.constant 0 : i32
    %sign3A_3 = arith.cmpi slt, %arg0, %sign3A_2 : i32
    %sign3A_4 = arith.extui %sign3A_3 : i1 to i32
    %sign3A_5 = arith.subi %sign3A_1, %sign3A_4 : i32
    %sign3A_6 = arith.constant 0 : i32
    %sign3A_7 = arith.cmpi sgt, %jit3A, %sign3A_6 : i32
    %sign3A_8 = arith.extui %sign3A_7 : i1 to i32
    %sign3A_9 = arith.constant 0 : i32
    %sign3A_10 = arith.cmpi slt, %jit3A, %sign3A_9 : i32
    %sign3A_11 = arith.extui %sign3A_10 : i1 to i32
    %sign3A_12 = arith.subi %sign3A_8, %sign3A_11 : i32
    %ne3A = arith.cmpi ne, %sign3A_5, %sign3A_12 : i32
    %rem3A = arith.remsi %arg0, %jit3A : i32
    %ne3A_13 = arith.constant 0 : i32
    %ne3A_14 = arith.cmpi ne, %rem3A, %ne3A_13 : i32
    %and3A = arith.andi %ne3A, %ne3A_14 : i1
    %sub3A = arith.constant 1 : i32
    %sub3A_15 = arith.subi %div3A, %sub3A : i32
    %select_n3A = arith.select %and3A, %sub3A_15, %div3A : i32
    %get3A = arith.constant 0 : index
    %get3A_16 = arith.constant 0 : index
    %get3A_17 = vector.load %arg1[%get3A, %get3A_16] : memref<256x2xf32, #tpu.memory_space<vmem>>, vector<256x1xf32>
    %get3A_18 = arith.constant 0 : index
    %get3A_19 = arith.constant 1 : index
    %get3A_20 = vector.load %arg1[%get3A_18, %get3A_19] : memref<256x2xf32, #tpu.memory_space<vmem>>, vector<256x1xf32>
    %get3A_21 = arith.constant 0 : index
    %get3A_22 = arith.constant 0 : index
    %get3A_23 = arith.constant 0 : index
    %get3A_24 = vector.load %arg2[%get3A_21, %get3A_22, %get3A_23] : memref<1x2x2048xf32, #tpu.memory_space<vmem>>, vector<1x1x2048xf32>
    %get3A_25 = vector.shape_cast %get3A_24 : vector<1x1x2048xf32> to vector<1x2048xf32>
    %get3A_26 = arith.constant 0 : index
    %get3A_27 = arith.constant 1 : index
    %get3A_28 = arith.constant 0 : index
    %get3A_29 = vector.load %arg2[%get3A_26, %get3A_27, %get3A_28] : memref<1x2x2048xf32, #tpu.memory_space<vmem>>, vector<1x1x2048xf32>
    %get3A_30 = vector.shape_cast %get3A_29 : vector<1x1x2048xf32> to vector<1x2048xf32>
    %sub3A_31 = vector.broadcast %get3A_17 : vector<256x1xf32> to vector<256x2048xf32>
    %sub3A_32 = vector.broadcast %get3A_25 : vector<1x2048xf32> to vector<256x2048xf32>
    %sub3A_33 = arith.subf %sub3A_31, %sub3A_32 : vector<256x2048xf32>
    %sub3A_34 = vector.broadcast %get3A_20 : vector<256x1xf32> to vector<256x2048xf32>
    %sub3A_35 = vector.broadcast %get3A_30 : vector<1x2048xf32> to vector<256x2048xf32>
    %sub3A_36 = arith.subf %sub3A_34, %sub3A_35 : vector<256x2048xf32>
    %mul3A = arith.mulf %sub3A_33, %sub3A_33 : vector<256x2048xf32>
    %mul3A_37 = arith.mulf %sub3A_36, %sub3A_36 : vector<256x2048xf32>
    %add3A = arith.addf %mul3A, %mul3A_37 : vector<256x2048xf32>
    %iota3A = tpu.iota {dimensions = array<i32: 1>} : vector<256x2048xi32>
    %convert_element_type3A = arith.sitofp %iota3A : vector<256x2048xi32> to vector<256x2048xf32>
    %reduce_min3A = arith.constant dense<0x7F800000> : vector<256xf32>
    %reduce_min3A_38 = vector.multi_reduction <minimumf>, %add3A, %reduce_min3A [1] : vector<256x2048xf32> to vector<256xf32>
    %broadcast_in_dim3A = vector.shape_cast %reduce_min3A_38 : vector<256xf32> to vector<256x1xf32>
    %eq3A = vector.broadcast %broadcast_in_dim3A : vector<256x1xf32> to vector<256x2048xf32>
    %eq3A_39 = arith.cmpf oeq, %add3A, %eq3A : vector<256x2048xf32>
    %jit3A_40 = arith.constant 2.048000e+03 : f32
    %broadcast_in_dim3A_41 = vector.broadcast %jit3A_40 : f32 to vector<256x2048xf32>
    %select_n3A_42 = arith.select %eq3A_39, %convert_element_type3A, %broadcast_in_dim3A_41 : vector<256x2048xi1>, vector<256x2048xf32>
    %reduce_min3A_43 = arith.constant dense<0x7F800000> : vector<256xf32>
    %reduce_min3A_44 = vector.multi_reduction <minimumf>, %select_n3A_42, %reduce_min3A_43 [1] : vector<256x2048xf32> to vector<256xf32>
    %broadcast_in_dim3A_45 = vector.shape_cast %reduce_min3A_44 : vector<256xf32> to vector<256x1xf32>
    %convert_element_type3A_46 = arith.fptosi %broadcast_in_dim3A_45 : vector<256x1xf32> to vector<256x1xi32>
    %mul3A_47 = arith.constant 2048 : i32
    %mul3A_48 = arith.muli %select_n3A, %mul3A_47 : i32
    %add3A_49 = vector.broadcast %mul3A_48 : i32 to vector<256x1xi32>
    %add3A_50 = arith.addi %convert_element_type3A_46, %add3A_49 : vector<256x1xi32>
    %eq3A_51 = vector.broadcast %broadcast_in_dim3A_45 : vector<256x1xf32> to vector<256x2048xf32>
    %eq3A_52 = arith.cmpf oeq, %select_n3A_42, %eq3A_51 : vector<256x2048xf32>
    %jit3A_53 = arith.constant 0x7F800000 : f32
    %broadcast_in_dim3A_54 = vector.broadcast %jit3A_53 : f32 to vector<256x2048xf32>
    %select_n3A_55 = arith.select %eq3A_52, %broadcast_in_dim3A_54, %add3A : vector<256x2048xi1>, vector<256x2048xf32>
    %reduce_min3A_56 = arith.constant dense<0x7F800000> : vector<256xf32>
    %reduce_min3A_57 = vector.multi_reduction <minimumf>, %select_n3A_55, %reduce_min3A_56 [1] : vector<256x2048xf32> to vector<256xf32>
    %broadcast_in_dim3A_58 = vector.shape_cast %reduce_min3A_57 : vector<256xf32> to vector<256x1xf32>
    %eq3A_59 = vector.broadcast %broadcast_in_dim3A_58 : vector<256x1xf32> to vector<256x2048xf32>
    %eq3A_60 = arith.cmpf oeq, %select_n3A_55, %eq3A_59 : vector<256x2048xf32>
    %jit3A_61 = arith.constant 2.048000e+03 : f32
    %broadcast_in_dim3A_62 = vector.broadcast %jit3A_61 : f32 to vector<256x2048xf32>
    %select_n3A_63 = arith.select %eq3A_60, %convert_element_type3A, %broadcast_in_dim3A_62 : vector<256x2048xi1>, vector<256x2048xf32>
    %reduce_min3A_64 = arith.constant dense<0x7F800000> : vector<256xf32>
    %reduce_min3A_65 = vector.multi_reduction <minimumf>, %select_n3A_63, %reduce_min3A_64 [1] : vector<256x2048xf32> to vector<256xf32>
    %broadcast_in_dim3A_66 = vector.shape_cast %reduce_min3A_65 : vector<256xf32> to vector<256x1xf32>
    %convert_element_type3A_67 = arith.fptosi %broadcast_in_dim3A_66 : vector<256x1xf32> to vector<256x1xi32>
    %mul3A_68 = arith.constant 2048 : i32
    %mul3A_69 = arith.muli %select_n3A, %mul3A_68 : i32
    %add3A_70 = vector.broadcast %mul3A_69 : i32 to vector<256x1xi32>
    %add3A_71 = arith.addi %convert_element_type3A_67, %add3A_70 : vector<256x1xi32>
    %eq3A_72 = vector.broadcast %broadcast_in_dim3A_66 : vector<256x1xf32> to vector<256x2048xf32>
    %eq3A_73 = arith.cmpf oeq, %select_n3A_63, %eq3A_72 : vector<256x2048xf32>
    %jit3A_74 = arith.constant 0x7F800000 : f32
    %broadcast_in_dim3A_75 = vector.broadcast %jit3A_74 : f32 to vector<256x2048xf32>
    %select_n3A_76 = arith.select %eq3A_73, %broadcast_in_dim3A_75, %select_n3A_55 : vector<256x2048xi1>, vector<256x2048xf32>
    %reduce_min3A_77 = arith.constant dense<0x7F800000> : vector<256xf32>
    %reduce_min3A_78 = vector.multi_reduction <minimumf>, %select_n3A_76, %reduce_min3A_77 [1] : vector<256x2048xf32> to vector<256xf32>
    %broadcast_in_dim3A_79 = vector.shape_cast %reduce_min3A_78 : vector<256xf32> to vector<256x1xf32>
    %eq3A_80 = vector.broadcast %broadcast_in_dim3A_79 : vector<256x1xf32> to vector<256x2048xf32>
    %eq3A_81 = arith.cmpf oeq, %select_n3A_76, %eq3A_80 : vector<256x2048xf32>
    %jit3A_82 = arith.constant 2.048000e+03 : f32
    %broadcast_in_dim3A_83 = vector.broadcast %jit3A_82 : f32 to vector<256x2048xf32>
    %select_n3A_84 = arith.select %eq3A_81, %convert_element_type3A, %broadcast_in_dim3A_83 : vector<256x2048xi1>, vector<256x2048xf32>
    %reduce_min3A_85 = arith.constant dense<0x7F800000> : vector<256xf32>
    %reduce_min3A_86 = vector.multi_reduction <minimumf>, %select_n3A_84, %reduce_min3A_85 [1] : vector<256x2048xf32> to vector<256xf32>
    %broadcast_in_dim3A_87 = vector.shape_cast %reduce_min3A_86 : vector<256xf32> to vector<256x1xf32>
    %convert_element_type3A_88 = arith.fptosi %broadcast_in_dim3A_87 : vector<256x1xf32> to vector<256x1xi32>
    %mul3A_89 = arith.constant 2048 : i32
    %mul3A_90 = arith.muli %select_n3A, %mul3A_89 : i32
    %add3A_91 = vector.broadcast %mul3A_90 : i32 to vector<256x1xi32>
    %add3A_92 = arith.addi %convert_element_type3A_88, %add3A_91 : vector<256x1xi32>
    %eq3A_93 = vector.broadcast %broadcast_in_dim3A_87 : vector<256x1xf32> to vector<256x2048xf32>
    %eq3A_94 = arith.cmpf oeq, %select_n3A_84, %eq3A_93 : vector<256x2048xf32>
    %jit3A_95 = arith.constant 0x7F800000 : f32
    %broadcast_in_dim3A_96 = vector.broadcast %jit3A_95 : f32 to vector<256x2048xf32>
    %select_n3A_97 = arith.select %eq3A_94, %broadcast_in_dim3A_96, %select_n3A_76 : vector<256x2048xi1>, vector<256x2048xf32>
    %reduce_min3A_98 = arith.constant dense<0x7F800000> : vector<256xf32>
    %reduce_min3A_99 = vector.multi_reduction <minimumf>, %select_n3A_97, %reduce_min3A_98 [1] : vector<256x2048xf32> to vector<256xf32>
    %broadcast_in_dim3A_100 = vector.shape_cast %reduce_min3A_99 : vector<256xf32> to vector<256x1xf32>
    %eq3A_101 = vector.broadcast %broadcast_in_dim3A_100 : vector<256x1xf32> to vector<256x2048xf32>
    %eq3A_102 = arith.cmpf oeq, %select_n3A_97, %eq3A_101 : vector<256x2048xf32>
    %jit3A_103 = arith.constant 2.048000e+03 : f32
    %broadcast_in_dim3A_104 = vector.broadcast %jit3A_103 : f32 to vector<256x2048xf32>
    %select_n3A_105 = arith.select %eq3A_102, %convert_element_type3A, %broadcast_in_dim3A_104 : vector<256x2048xi1>, vector<256x2048xf32>
    %reduce_min3A_106 = arith.constant dense<0x7F800000> : vector<256xf32>
    %reduce_min3A_107 = vector.multi_reduction <minimumf>, %select_n3A_105, %reduce_min3A_106 [1] : vector<256x2048xf32> to vector<256xf32>
    %broadcast_in_dim3A_108 = vector.shape_cast %reduce_min3A_107 : vector<256xf32> to vector<256x1xf32>
    %convert_element_type3A_109 = arith.fptosi %broadcast_in_dim3A_108 : vector<256x1xf32> to vector<256x1xi32>
    %mul3A_110 = arith.constant 2048 : i32
    %mul3A_111 = arith.muli %select_n3A, %mul3A_110 : i32
    %add3A_112 = vector.broadcast %mul3A_111 : i32 to vector<256x1xi32>
    %add3A_113 = arith.addi %convert_element_type3A_109, %add3A_112 : vector<256x1xi32>
    %eq3A_114 = vector.broadcast %broadcast_in_dim3A_108 : vector<256x1xf32> to vector<256x2048xf32>
    %eq3A_115 = arith.cmpf oeq, %select_n3A_105, %eq3A_114 : vector<256x2048xf32>
    %jit3A_116 = arith.constant 0x7F800000 : f32
    %broadcast_in_dim3A_117 = vector.broadcast %jit3A_116 : f32 to vector<256x2048xf32>
    %select_n3A_118 = arith.select %eq3A_115, %broadcast_in_dim3A_117, %select_n3A_97 : vector<256x2048xi1>, vector<256x2048xf32>
    %reduce_min3A_119 = arith.constant dense<0x7F800000> : vector<256xf32>
    %reduce_min3A_120 = vector.multi_reduction <minimumf>, %select_n3A_118, %reduce_min3A_119 [1] : vector<256x2048xf32> to vector<256xf32>
    %broadcast_in_dim3A_121 = vector.shape_cast %reduce_min3A_120 : vector<256xf32> to vector<256x1xf32>
    %eq3A_122 = vector.broadcast %broadcast_in_dim3A_121 : vector<256x1xf32> to vector<256x2048xf32>
    %eq3A_123 = arith.cmpf oeq, %select_n3A_118, %eq3A_122 : vector<256x2048xf32>
    %jit3A_124 = arith.constant 2.048000e+03 : f32
    %broadcast_in_dim3A_125 = vector.broadcast %jit3A_124 : f32 to vector<256x2048xf32>
    %select_n3A_126 = arith.select %eq3A_123, %convert_element_type3A, %broadcast_in_dim3A_125 : vector<256x2048xi1>, vector<256x2048xf32>
    %reduce_min3A_127 = arith.constant dense<0x7F800000> : vector<256xf32>
    %reduce_min3A_128 = vector.multi_reduction <minimumf>, %select_n3A_126, %reduce_min3A_127 [1] : vector<256x2048xf32> to vector<256xf32>
    %broadcast_in_dim3A_129 = vector.shape_cast %reduce_min3A_128 : vector<256xf32> to vector<256x1xf32>
    %convert_element_type3A_130 = arith.fptosi %broadcast_in_dim3A_129 : vector<256x1xf32> to vector<256x1xi32>
    %mul3A_131 = arith.constant 2048 : i32
    %mul3A_132 = arith.muli %select_n3A, %mul3A_131 : i32
    %add3A_133 = vector.broadcast %mul3A_132 : i32 to vector<256x1xi32>
    %add3A_134 = arith.addi %convert_element_type3A_130, %add3A_133 : vector<256x1xi32>
    %eq3A_135 = vector.broadcast %broadcast_in_dim3A_129 : vector<256x1xf32> to vector<256x2048xf32>
    %eq3A_136 = arith.cmpf oeq, %select_n3A_126, %eq3A_135 : vector<256x2048xf32>
    %jit3A_137 = arith.constant 0x7F800000 : f32
    %broadcast_in_dim3A_138 = vector.broadcast %jit3A_137 : f32 to vector<256x2048xf32>
    %select_n3A_139 = arith.select %eq3A_136, %broadcast_in_dim3A_138, %select_n3A_118 : vector<256x2048xi1>, vector<256x2048xf32>
    %reduce_min3A_140 = arith.constant dense<0x7F800000> : vector<256xf32>
    %reduce_min3A_141 = vector.multi_reduction <minimumf>, %select_n3A_139, %reduce_min3A_140 [1] : vector<256x2048xf32> to vector<256xf32>
    %broadcast_in_dim3A_142 = vector.shape_cast %reduce_min3A_141 : vector<256xf32> to vector<256x1xf32>
    %eq3A_143 = vector.broadcast %broadcast_in_dim3A_142 : vector<256x1xf32> to vector<256x2048xf32>
    %eq3A_144 = arith.cmpf oeq, %select_n3A_139, %eq3A_143 : vector<256x2048xf32>
    %jit3A_145 = arith.constant 2.048000e+03 : f32
    %broadcast_in_dim3A_146 = vector.broadcast %jit3A_145 : f32 to vector<256x2048xf32>
    %select_n3A_147 = arith.select %eq3A_144, %convert_element_type3A, %broadcast_in_dim3A_146 : vector<256x2048xi1>, vector<256x2048xf32>
    %reduce_min3A_148 = arith.constant dense<0x7F800000> : vector<256xf32>
    %reduce_min3A_149 = vector.multi_reduction <minimumf>, %select_n3A_147, %reduce_min3A_148 [1] : vector<256x2048xf32> to vector<256xf32>
    %broadcast_in_dim3A_150 = vector.shape_cast %reduce_min3A_149 : vector<256xf32> to vector<256x1xf32>
    %convert_element_type3A_151 = arith.fptosi %broadcast_in_dim3A_150 : vector<256x1xf32> to vector<256x1xi32>
    %mul3A_152 = arith.constant 2048 : i32
    %mul3A_153 = arith.muli %select_n3A, %mul3A_152 : i32
    %add3A_154 = vector.broadcast %mul3A_153 : i32 to vector<256x1xi32>
    %add3A_155 = arith.addi %convert_element_type3A_151, %add3A_154 : vector<256x1xi32>
    %eq3A_156 = vector.broadcast %broadcast_in_dim3A_150 : vector<256x1xf32> to vector<256x2048xf32>
    %eq3A_157 = arith.cmpf oeq, %select_n3A_147, %eq3A_156 : vector<256x2048xf32>
    %jit3A_158 = arith.constant 0x7F800000 : f32
    %broadcast_in_dim3A_159 = vector.broadcast %jit3A_158 : f32 to vector<256x2048xf32>
    %select_n3A_160 = arith.select %eq3A_157, %broadcast_in_dim3A_159, %select_n3A_139 : vector<256x2048xi1>, vector<256x2048xf32>
    %reduce_min3A_161 = arith.constant dense<0x7F800000> : vector<256xf32>
    %reduce_min3A_162 = vector.multi_reduction <minimumf>, %select_n3A_160, %reduce_min3A_161 [1] : vector<256x2048xf32> to vector<256xf32>
    %broadcast_in_dim3A_163 = vector.shape_cast %reduce_min3A_162 : vector<256xf32> to vector<256x1xf32>
    %eq3A_164 = vector.broadcast %broadcast_in_dim3A_163 : vector<256x1xf32> to vector<256x2048xf32>
    %eq3A_165 = arith.cmpf oeq, %select_n3A_160, %eq3A_164 : vector<256x2048xf32>
    %jit3A_166 = arith.constant 2.048000e+03 : f32
    %broadcast_in_dim3A_167 = vector.broadcast %jit3A_166 : f32 to vector<256x2048xf32>
    %select_n3A_168 = arith.select %eq3A_165, %convert_element_type3A, %broadcast_in_dim3A_167 : vector<256x2048xi1>, vector<256x2048xf32>
    %reduce_min3A_169 = arith.constant dense<0x7F800000> : vector<256xf32>
    %reduce_min3A_170 = vector.multi_reduction <minimumf>, %select_n3A_168, %reduce_min3A_169 [1] : vector<256x2048xf32> to vector<256xf32>
    %broadcast_in_dim3A_171 = vector.shape_cast %reduce_min3A_170 : vector<256xf32> to vector<256x1xf32>
    %convert_element_type3A_172 = arith.fptosi %broadcast_in_dim3A_171 : vector<256x1xf32> to vector<256x1xi32>
    %mul3A_173 = arith.constant 2048 : i32
    %mul3A_174 = arith.muli %select_n3A, %mul3A_173 : i32
    %add3A_175 = vector.broadcast %mul3A_174 : i32 to vector<256x1xi32>
    %add3A_176 = arith.addi %convert_element_type3A_172, %add3A_175 : vector<256x1xi32>
    %eq3A_177 = vector.broadcast %broadcast_in_dim3A_171 : vector<256x1xf32> to vector<256x2048xf32>
    %eq3A_178 = arith.cmpf oeq, %select_n3A_168, %eq3A_177 : vector<256x2048xf32>
    %jit3A_179 = arith.constant 0x7F800000 : f32
    %broadcast_in_dim3A_180 = vector.broadcast %jit3A_179 : f32 to vector<256x2048xf32>
    %select_n3A_181 = arith.select %eq3A_178, %broadcast_in_dim3A_180, %select_n3A_160 : vector<256x2048xi1>, vector<256x2048xf32>
    %reduce_min3A_182 = arith.constant dense<0x7F800000> : vector<256xf32>
    %reduce_min3A_183 = vector.multi_reduction <minimumf>, %select_n3A_181, %reduce_min3A_182 [1] : vector<256x2048xf32> to vector<256xf32>
    %broadcast_in_dim3A_184 = vector.shape_cast %reduce_min3A_183 : vector<256xf32> to vector<256x1xf32>
    %eq3A_185 = vector.broadcast %broadcast_in_dim3A_184 : vector<256x1xf32> to vector<256x2048xf32>
    %eq3A_186 = arith.cmpf oeq, %select_n3A_181, %eq3A_185 : vector<256x2048xf32>
    %jit3A_187 = arith.constant 2.048000e+03 : f32
    %broadcast_in_dim3A_188 = vector.broadcast %jit3A_187 : f32 to vector<256x2048xf32>
    %select_n3A_189 = arith.select %eq3A_186, %convert_element_type3A, %broadcast_in_dim3A_188 : vector<256x2048xi1>, vector<256x2048xf32>
    %reduce_min3A_190 = arith.constant dense<0x7F800000> : vector<256xf32>
    %reduce_min3A_191 = vector.multi_reduction <minimumf>, %select_n3A_189, %reduce_min3A_190 [1] : vector<256x2048xf32> to vector<256xf32>
    %broadcast_in_dim3A_192 = vector.shape_cast %reduce_min3A_191 : vector<256xf32> to vector<256x1xf32>
    %convert_element_type3A_193 = arith.fptosi %broadcast_in_dim3A_192 : vector<256x1xf32> to vector<256x1xi32>
    %mul3A_194 = arith.constant 2048 : i32
    %mul3A_195 = arith.muli %select_n3A, %mul3A_194 : i32
    %add3A_196 = vector.broadcast %mul3A_195 : i32 to vector<256x1xi32>
    %add3A_197 = arith.addi %convert_element_type3A_193, %add3A_196 : vector<256x1xi32>
    %eq3A_198 = vector.broadcast %broadcast_in_dim3A_192 : vector<256x1xf32> to vector<256x2048xf32>
    %eq3A_199 = arith.cmpf oeq, %select_n3A_189, %eq3A_198 : vector<256x2048xf32>
    %jit3A_200 = arith.constant 0x7F800000 : f32
    %broadcast_in_dim3A_201 = vector.broadcast %jit3A_200 : f32 to vector<256x2048xf32>
    %select_n3A_202 = arith.select %eq3A_199, %broadcast_in_dim3A_201, %select_n3A_181 : vector<256x2048xi1>, vector<256x2048xf32>
    %reduce_min3A_203 = arith.constant dense<0x7F800000> : vector<256xf32>
    %reduce_min3A_204 = vector.multi_reduction <minimumf>, %select_n3A_202, %reduce_min3A_203 [1] : vector<256x2048xf32> to vector<256xf32>
    %broadcast_in_dim3A_205 = vector.shape_cast %reduce_min3A_204 : vector<256xf32> to vector<256x1xf32>
    %eq3A_206 = vector.broadcast %broadcast_in_dim3A_205 : vector<256x1xf32> to vector<256x2048xf32>
    %eq3A_207 = arith.cmpf oeq, %select_n3A_202, %eq3A_206 : vector<256x2048xf32>
    %jit3A_208 = arith.constant 2.048000e+03 : f32
    %broadcast_in_dim3A_209 = vector.broadcast %jit3A_208 : f32 to vector<256x2048xf32>
    %select_n3A_210 = arith.select %eq3A_207, %convert_element_type3A, %broadcast_in_dim3A_209 : vector<256x2048xi1>, vector<256x2048xf32>
    %reduce_min3A_211 = arith.constant dense<0x7F800000> : vector<256xf32>
    %reduce_min3A_212 = vector.multi_reduction <minimumf>, %select_n3A_210, %reduce_min3A_211 [1] : vector<256x2048xf32> to vector<256xf32>
    %broadcast_in_dim3A_213 = vector.shape_cast %reduce_min3A_212 : vector<256xf32> to vector<256x1xf32>
    %convert_element_type3A_214 = arith.fptosi %broadcast_in_dim3A_213 : vector<256x1xf32> to vector<256x1xi32>
    %mul3A_215 = arith.constant 2048 : i32
    %mul3A_216 = arith.muli %select_n3A, %mul3A_215 : i32
    %add3A_217 = vector.broadcast %mul3A_216 : i32 to vector<256x1xi32>
    %add3A_218 = arith.addi %convert_element_type3A_214, %add3A_217 : vector<256x1xi32>
    %eq3A_219 = vector.broadcast %broadcast_in_dim3A_213 : vector<256x1xf32> to vector<256x2048xf32>
    %eq3A_220 = arith.cmpf oeq, %select_n3A_210, %eq3A_219 : vector<256x2048xf32>
    %jit3A_221 = arith.constant 0x7F800000 : f32
    %broadcast_in_dim3A_222 = vector.broadcast %jit3A_221 : f32 to vector<256x2048xf32>
    %select_n3A_223 = arith.select %eq3A_220, %broadcast_in_dim3A_222, %select_n3A_202 : vector<256x2048xi1>, vector<256x2048xf32>
    %reduce_min3A_224 = arith.constant dense<0x7F800000> : vector<256xf32>
    %reduce_min3A_225 = vector.multi_reduction <minimumf>, %select_n3A_223, %reduce_min3A_224 [1] : vector<256x2048xf32> to vector<256xf32>
    %broadcast_in_dim3A_226 = vector.shape_cast %reduce_min3A_225 : vector<256xf32> to vector<256x1xf32>
    %eq3A_227 = vector.broadcast %broadcast_in_dim3A_226 : vector<256x1xf32> to vector<256x2048xf32>
    %eq3A_228 = arith.cmpf oeq, %select_n3A_223, %eq3A_227 : vector<256x2048xf32>
    %jit3A_229 = arith.constant 2.048000e+03 : f32
    %broadcast_in_dim3A_230 = vector.broadcast %jit3A_229 : f32 to vector<256x2048xf32>
    %select_n3A_231 = arith.select %eq3A_228, %convert_element_type3A, %broadcast_in_dim3A_230 : vector<256x2048xi1>, vector<256x2048xf32>
    %reduce_min3A_232 = arith.constant dense<0x7F800000> : vector<256xf32>
    %reduce_min3A_233 = vector.multi_reduction <minimumf>, %select_n3A_231, %reduce_min3A_232 [1] : vector<256x2048xf32> to vector<256xf32>
    %broadcast_in_dim3A_234 = vector.shape_cast %reduce_min3A_233 : vector<256xf32> to vector<256x1xf32>
    %convert_element_type3A_235 = arith.fptosi %broadcast_in_dim3A_234 : vector<256x1xf32> to vector<256x1xi32>
    %mul3A_236 = arith.constant 2048 : i32
    %mul3A_237 = arith.muli %select_n3A, %mul3A_236 : i32
    %add3A_238 = vector.broadcast %mul3A_237 : i32 to vector<256x1xi32>
    %add3A_239 = arith.addi %convert_element_type3A_235, %add3A_238 : vector<256x1xi32>
    %eq3A_240 = vector.broadcast %broadcast_in_dim3A_234 : vector<256x1xf32> to vector<256x2048xf32>
    %eq3A_241 = arith.cmpf oeq, %select_n3A_231, %eq3A_240 : vector<256x2048xf32>
    %jit3A_242 = arith.constant 0x7F800000 : f32
    %broadcast_in_dim3A_243 = vector.broadcast %jit3A_242 : f32 to vector<256x2048xf32>
    %select_n3A_244 = arith.select %eq3A_241, %broadcast_in_dim3A_243, %select_n3A_223 : vector<256x2048xi1>, vector<256x2048xf32>
    %reduce_min3A_245 = arith.constant dense<0x7F800000> : vector<256xf32>
    %reduce_min3A_246 = vector.multi_reduction <minimumf>, %select_n3A_244, %reduce_min3A_245 [1] : vector<256x2048xf32> to vector<256xf32>
    %broadcast_in_dim3A_247 = vector.shape_cast %reduce_min3A_246 : vector<256xf32> to vector<256x1xf32>
    %eq3A_248 = vector.broadcast %broadcast_in_dim3A_247 : vector<256x1xf32> to vector<256x2048xf32>
    %eq3A_249 = arith.cmpf oeq, %select_n3A_244, %eq3A_248 : vector<256x2048xf32>
    %jit3A_250 = arith.constant 2.048000e+03 : f32
    %broadcast_in_dim3A_251 = vector.broadcast %jit3A_250 : f32 to vector<256x2048xf32>
    %select_n3A_252 = arith.select %eq3A_249, %convert_element_type3A, %broadcast_in_dim3A_251 : vector<256x2048xi1>, vector<256x2048xf32>
    %reduce_min3A_253 = arith.constant dense<0x7F800000> : vector<256xf32>
    %reduce_min3A_254 = vector.multi_reduction <minimumf>, %select_n3A_252, %reduce_min3A_253 [1] : vector<256x2048xf32> to vector<256xf32>
    %broadcast_in_dim3A_255 = vector.shape_cast %reduce_min3A_254 : vector<256xf32> to vector<256x1xf32>
    %convert_element_type3A_256 = arith.fptosi %broadcast_in_dim3A_255 : vector<256x1xf32> to vector<256x1xi32>
    %mul3A_257 = arith.constant 2048 : i32
    %mul3A_258 = arith.muli %select_n3A, %mul3A_257 : i32
    %add3A_259 = vector.broadcast %mul3A_258 : i32 to vector<256x1xi32>
    %add3A_260 = arith.addi %convert_element_type3A_256, %add3A_259 : vector<256x1xi32>
    %eq3A_261 = vector.broadcast %broadcast_in_dim3A_255 : vector<256x1xf32> to vector<256x2048xf32>
    %eq3A_262 = arith.cmpf oeq, %select_n3A_252, %eq3A_261 : vector<256x2048xf32>
    %jit3A_263 = arith.constant 0x7F800000 : f32
    %broadcast_in_dim3A_264 = vector.broadcast %jit3A_263 : f32 to vector<256x2048xf32>
    %select_n3A_265 = arith.select %eq3A_262, %broadcast_in_dim3A_264, %select_n3A_244 : vector<256x2048xi1>, vector<256x2048xf32>
    %reduce_min3A_266 = arith.constant dense<0x7F800000> : vector<256xf32>
    %reduce_min3A_267 = vector.multi_reduction <minimumf>, %select_n3A_265, %reduce_min3A_266 [1] : vector<256x2048xf32> to vector<256xf32>
    %broadcast_in_dim3A_268 = vector.shape_cast %reduce_min3A_267 : vector<256xf32> to vector<256x1xf32>
    %eq3A_269 = vector.broadcast %broadcast_in_dim3A_268 : vector<256x1xf32> to vector<256x2048xf32>
    %eq3A_270 = arith.cmpf oeq, %select_n3A_265, %eq3A_269 : vector<256x2048xf32>
    %jit3A_271 = arith.constant 2.048000e+03 : f32
    %broadcast_in_dim3A_272 = vector.broadcast %jit3A_271 : f32 to vector<256x2048xf32>
    %select_n3A_273 = arith.select %eq3A_270, %convert_element_type3A, %broadcast_in_dim3A_272 : vector<256x2048xi1>, vector<256x2048xf32>
    %reduce_min3A_274 = arith.constant dense<0x7F800000> : vector<256xf32>
    %reduce_min3A_275 = vector.multi_reduction <minimumf>, %select_n3A_273, %reduce_min3A_274 [1] : vector<256x2048xf32> to vector<256xf32>
    %broadcast_in_dim3A_276 = vector.shape_cast %reduce_min3A_275 : vector<256xf32> to vector<256x1xf32>
    %convert_element_type3A_277 = arith.fptosi %broadcast_in_dim3A_276 : vector<256x1xf32> to vector<256x1xi32>
    %mul3A_278 = arith.constant 2048 : i32
    %mul3A_279 = arith.muli %select_n3A, %mul3A_278 : i32
    %add3A_280 = vector.broadcast %mul3A_279 : i32 to vector<256x1xi32>
    %add3A_281 = arith.addi %convert_element_type3A_277, %add3A_280 : vector<256x1xi32>
    %eq3A_282 = vector.broadcast %broadcast_in_dim3A_276 : vector<256x1xf32> to vector<256x2048xf32>
    %eq3A_283 = arith.cmpf oeq, %select_n3A_273, %eq3A_282 : vector<256x2048xf32>
    %jit3A_284 = arith.constant 0x7F800000 : f32
    %broadcast_in_dim3A_285 = vector.broadcast %jit3A_284 : f32 to vector<256x2048xf32>
    %select_n3A_286 = arith.select %eq3A_283, %broadcast_in_dim3A_285, %select_n3A_265 : vector<256x2048xi1>, vector<256x2048xf32>
    %reduce_min3A_287 = arith.constant dense<0x7F800000> : vector<256xf32>
    %reduce_min3A_288 = vector.multi_reduction <minimumf>, %select_n3A_286, %reduce_min3A_287 [1] : vector<256x2048xf32> to vector<256xf32>
    %broadcast_in_dim3A_289 = vector.shape_cast %reduce_min3A_288 : vector<256xf32> to vector<256x1xf32>
    %eq3A_290 = vector.broadcast %broadcast_in_dim3A_289 : vector<256x1xf32> to vector<256x2048xf32>
    %eq3A_291 = arith.cmpf oeq, %select_n3A_286, %eq3A_290 : vector<256x2048xf32>
    %jit3A_292 = arith.constant 2.048000e+03 : f32
    %broadcast_in_dim3A_293 = vector.broadcast %jit3A_292 : f32 to vector<256x2048xf32>
    %select_n3A_294 = arith.select %eq3A_291, %convert_element_type3A, %broadcast_in_dim3A_293 : vector<256x2048xi1>, vector<256x2048xf32>
    %reduce_min3A_295 = arith.constant dense<0x7F800000> : vector<256xf32>
    %reduce_min3A_296 = vector.multi_reduction <minimumf>, %select_n3A_294, %reduce_min3A_295 [1] : vector<256x2048xf32> to vector<256xf32>
    %broadcast_in_dim3A_297 = vector.shape_cast %reduce_min3A_296 : vector<256xf32> to vector<256x1xf32>
    %convert_element_type3A_298 = arith.fptosi %broadcast_in_dim3A_297 : vector<256x1xf32> to vector<256x1xi32>
    %mul3A_299 = arith.constant 2048 : i32
    %mul3A_300 = arith.muli %select_n3A, %mul3A_299 : i32
    %add3A_301 = vector.broadcast %mul3A_300 : i32 to vector<256x1xi32>
    %add3A_302 = arith.addi %convert_element_type3A_298, %add3A_301 : vector<256x1xi32>
    %eq3A_303 = vector.broadcast %broadcast_in_dim3A_297 : vector<256x1xf32> to vector<256x2048xf32>
    %eq3A_304 = arith.cmpf oeq, %select_n3A_294, %eq3A_303 : vector<256x2048xf32>
    %jit3A_305 = arith.constant 0x7F800000 : f32
    %broadcast_in_dim3A_306 = vector.broadcast %jit3A_305 : f32 to vector<256x2048xf32>
    %select_n3A_307 = arith.select %eq3A_304, %broadcast_in_dim3A_306, %select_n3A_286 : vector<256x2048xi1>, vector<256x2048xf32>
    %reduce_min3A_308 = arith.constant dense<0x7F800000> : vector<256xf32>
    %reduce_min3A_309 = vector.multi_reduction <minimumf>, %select_n3A_307, %reduce_min3A_308 [1] : vector<256x2048xf32> to vector<256xf32>
    %broadcast_in_dim3A_310 = vector.shape_cast %reduce_min3A_309 : vector<256xf32> to vector<256x1xf32>
    %eq3A_311 = vector.broadcast %broadcast_in_dim3A_310 : vector<256x1xf32> to vector<256x2048xf32>
    %eq3A_312 = arith.cmpf oeq, %select_n3A_307, %eq3A_311 : vector<256x2048xf32>
    %jit3A_313 = arith.constant 2.048000e+03 : f32
    %broadcast_in_dim3A_314 = vector.broadcast %jit3A_313 : f32 to vector<256x2048xf32>
    %select_n3A_315 = arith.select %eq3A_312, %convert_element_type3A, %broadcast_in_dim3A_314 : vector<256x2048xi1>, vector<256x2048xf32>
    %reduce_min3A_316 = arith.constant dense<0x7F800000> : vector<256xf32>
    %reduce_min3A_317 = vector.multi_reduction <minimumf>, %select_n3A_315, %reduce_min3A_316 [1] : vector<256x2048xf32> to vector<256xf32>
    %broadcast_in_dim3A_318 = vector.shape_cast %reduce_min3A_317 : vector<256xf32> to vector<256x1xf32>
    %convert_element_type3A_319 = arith.fptosi %broadcast_in_dim3A_318 : vector<256x1xf32> to vector<256x1xi32>
    %mul3A_320 = arith.constant 2048 : i32
    %mul3A_321 = arith.muli %select_n3A, %mul3A_320 : i32
    %add3A_322 = vector.broadcast %mul3A_321 : i32 to vector<256x1xi32>
    %add3A_323 = arith.addi %convert_element_type3A_319, %add3A_322 : vector<256x1xi32>
    %eq3A_324 = vector.broadcast %broadcast_in_dim3A_318 : vector<256x1xf32> to vector<256x2048xf32>
    %eq3A_325 = arith.cmpf oeq, %select_n3A_315, %eq3A_324 : vector<256x2048xf32>
    %jit3A_326 = arith.constant 0x7F800000 : f32
    %broadcast_in_dim3A_327 = vector.broadcast %jit3A_326 : f32 to vector<256x2048xf32>
    %select_n3A_328 = arith.select %eq3A_325, %broadcast_in_dim3A_327, %select_n3A_307 : vector<256x2048xi1>, vector<256x2048xf32>
    %reduce_min3A_329 = arith.constant dense<0x7F800000> : vector<256xf32>
    %reduce_min3A_330 = vector.multi_reduction <minimumf>, %select_n3A_328, %reduce_min3A_329 [1] : vector<256x2048xf32> to vector<256xf32>
    %broadcast_in_dim3A_331 = vector.shape_cast %reduce_min3A_330 : vector<256xf32> to vector<256x1xf32>
    %eq3A_332 = vector.broadcast %broadcast_in_dim3A_331 : vector<256x1xf32> to vector<256x2048xf32>
    %eq3A_333 = arith.cmpf oeq, %select_n3A_328, %eq3A_332 : vector<256x2048xf32>
    %jit3A_334 = arith.constant 2.048000e+03 : f32
    %broadcast_in_dim3A_335 = vector.broadcast %jit3A_334 : f32 to vector<256x2048xf32>
    %select_n3A_336 = arith.select %eq3A_333, %convert_element_type3A, %broadcast_in_dim3A_335 : vector<256x2048xi1>, vector<256x2048xf32>
    %reduce_min3A_337 = arith.constant dense<0x7F800000> : vector<256xf32>
    %reduce_min3A_338 = vector.multi_reduction <minimumf>, %select_n3A_336, %reduce_min3A_337 [1] : vector<256x2048xf32> to vector<256xf32>
    %broadcast_in_dim3A_339 = vector.shape_cast %reduce_min3A_338 : vector<256xf32> to vector<256x1xf32>
    %convert_element_type3A_340 = arith.fptosi %broadcast_in_dim3A_339 : vector<256x1xf32> to vector<256x1xi32>
    %mul3A_341 = arith.constant 2048 : i32
    %mul3A_342 = arith.muli %select_n3A, %mul3A_341 : i32
    %add3A_343 = vector.broadcast %mul3A_342 : i32 to vector<256x1xi32>
    %add3A_344 = arith.addi %convert_element_type3A_340, %add3A_343 : vector<256x1xi32>
    %eq3A_345 = vector.broadcast %broadcast_in_dim3A_339 : vector<256x1xf32> to vector<256x2048xf32>
    %eq3A_346 = arith.cmpf oeq, %select_n3A_336, %eq3A_345 : vector<256x2048xf32>
    %jit3A_347 = arith.constant 0x7F800000 : f32
    %broadcast_in_dim3A_348 = vector.broadcast %jit3A_347 : f32 to vector<256x2048xf32>
    %select_n3A_349 = arith.select %eq3A_346, %broadcast_in_dim3A_348, %select_n3A_328 : vector<256x2048xi1>, vector<256x2048xf32>
    %reduce_min3A_350 = arith.constant dense<0x7F800000> : vector<256xf32>
    %reduce_min3A_351 = vector.multi_reduction <minimumf>, %select_n3A_349, %reduce_min3A_350 [1] : vector<256x2048xf32> to vector<256xf32>
    %broadcast_in_dim3A_352 = vector.shape_cast %reduce_min3A_351 : vector<256xf32> to vector<256x1xf32>
    %eq3A_353 = vector.broadcast %broadcast_in_dim3A_352 : vector<256x1xf32> to vector<256x2048xf32>
    %eq3A_354 = arith.cmpf oeq, %select_n3A_349, %eq3A_353 : vector<256x2048xf32>
    %jit3A_355 = arith.constant 2.048000e+03 : f32
    %broadcast_in_dim3A_356 = vector.broadcast %jit3A_355 : f32 to vector<256x2048xf32>
    %select_n3A_357 = arith.select %eq3A_354, %convert_element_type3A, %broadcast_in_dim3A_356 : vector<256x2048xi1>, vector<256x2048xf32>
    %reduce_min3A_358 = arith.constant dense<0x7F800000> : vector<256xf32>
    %reduce_min3A_359 = vector.multi_reduction <minimumf>, %select_n3A_357, %reduce_min3A_358 [1] : vector<256x2048xf32> to vector<256xf32>
    %broadcast_in_dim3A_360 = vector.shape_cast %reduce_min3A_359 : vector<256xf32> to vector<256x1xf32>
    %convert_element_type3A_361 = arith.fptosi %broadcast_in_dim3A_360 : vector<256x1xf32> to vector<256x1xi32>
    %mul3A_362 = arith.constant 2048 : i32
    %mul3A_363 = arith.muli %select_n3A, %mul3A_362 : i32
    %add3A_364 = vector.broadcast %mul3A_363 : i32 to vector<256x1xi32>
    %add3A_365 = arith.addi %convert_element_type3A_361, %add3A_364 : vector<256x1xi32>
    %concatenate3A = tpu.concatenate %add3A_50, %add3A_71, %add3A_92, %add3A_113, %add3A_134, %add3A_155, %add3A_176, %add3A_197, %add3A_218, %add3A_239, %add3A_260, %add3A_281, %add3A_302, %add3A_323, %add3A_344, %add3A_365 in 1 : vector<256x1xi32>, vector<256x1xi32>, vector<256x1xi32>, vector<256x1xi32>, vector<256x1xi32>, vector<256x1xi32>, vector<256x1xi32>, vector<256x1xi32>, vector<256x1xi32>, vector<256x1xi32>, vector<256x1xi32>, vector<256x1xi32>, vector<256x1xi32>, vector<256x1xi32>, vector<256x1xi32>, vector<256x1xi32> -> vector<256x16xi32>
    %swap3A = arith.constant 0 : index
    %swap3A_366 = arith.constant 0 : index
    %swap3A_367 = vector.load %arg3[%swap3A, %swap3A_366] : memref<256x16xi32, #tpu.memory_space<vmem>>, vector<256x16xi32>
    tpu.vector_store %arg3[%swap3A, %swap3A_366], %concatenate3A {strides = array<i32>} : memref<256x16xi32, #tpu.memory_space<vmem>>, vector<256x16xi32>,
    return
  }
  func.func @transform_0(%arg0: i32) -> (i32, i32) {
    %c0_i32 = arith.constant 0 : i32
    %c0_i32_0 = arith.constant 0 : i32
    return %arg0, %c0_i32 : i32, i32
  }
  func.func @transform_1(%arg0: i32) -> (i32, i32, i32) {
    %jit3A = arith.constant 16 : i32
    %div3A = arith.divsi %arg0, %jit3A : i32
    %sign3A = arith.constant 0 : i32
    %sign3A_0 = arith.cmpi sgt, %arg0, %sign3A : i32
    %sign3A_1 = arith.extui %sign3A_0 : i1 to i32
    %sign3A_2 = arith.constant 0 : i32
    %sign3A_3 = arith.cmpi slt, %arg0, %sign3A_2 : i32
    %sign3A_4 = arith.extui %sign3A_3 : i1 to i32
    %sign3A_5 = arith.subi %sign3A_1, %sign3A_4 : i32
    %sign3A_6 = arith.constant 0 : i32
    %sign3A_7 = arith.cmpi sgt, %jit3A, %sign3A_6 : i32
    %sign3A_8 = arith.extui %sign3A_7 : i1 to i32
    %sign3A_9 = arith.constant 0 : i32
    %sign3A_10 = arith.cmpi slt, %jit3A, %sign3A_9 : i32
    %sign3A_11 = arith.extui %sign3A_10 : i1 to i32
    %sign3A_12 = arith.subi %sign3A_8, %sign3A_11 : i32
    %ne3A = arith.cmpi ne, %sign3A_5, %sign3A_12 : i32
    %rem3A = arith.remsi %arg0, %jit3A : i32
    %ne3A_13 = arith.constant 0 : i32
    %ne3A_14 = arith.cmpi ne, %rem3A, %ne3A_13 : i32
    %and3A = arith.andi %ne3A, %ne3A_14 : i1
    %sub3A = arith.constant 1 : i32
    %sub3A_15 = arith.subi %div3A, %sub3A : i32
    %select_n3A = arith.select %and3A, %sub3A_15, %div3A : i32
    %c0_i32 = arith.constant 0 : i32
    %c0_i32_16 = arith.constant 0 : i32
    %c0_i32_17 = arith.constant 0 : i32
    return %select_n3A, %c0_i32, %c0_i32_16 : i32, i32, i32
  }
  func.func @transform_2(%arg0: i32) -> (i32, i32) {
    %c0_i32 = arith.constant 0 : i32
    %c0_i32_0 = arith.constant 0 : i32
    return %arg0, %c0_i32 : i32, i32
  }
}

module attributes {stable_mosaic.version = 14 : i64} {
  func.func @_attn_body(%arg0: i32, %arg1: memref<128x2xf32, #tpu.memory_space<vmem>>, %arg2: memref<2048x384xf32, #tpu.memory_space<vmem>>, %arg3: memref<2x128xf32, #tpu.memory_space<vmem>>, %arg4: memref<256x8xf32, #tpu.memory_space<vmem>>, %arg5: memref<8x256xf32, #tpu.memory_space<vmem>>, %arg6: memref<2x128xf32, #tpu.memory_space<vmem>>, %arg7: memref<256x256xf32, #tpu.memory_space<vmem>>, %arg8: memref<1x256xf32, #tpu.memory_space<vmem>>, %arg9: memref<256x256xf32, #tpu.memory_space<vmem>>, %arg10: memref<1x256xf32, #tpu.memory_space<vmem>>, %arg11: memref<256x256xf32, #tpu.memory_space<vmem>>, %arg12: memref<1x256xf32, #tpu.memory_space<vmem>>, %arg13: memref<256x256xf32, #tpu.memory_space<vmem>>, %arg14: memref<1x256xf32, #tpu.memory_space<vmem>>, %arg15: memref<1x256xf32, #tpu.memory_space<vmem>>, %arg16: memref<1x256xf32, #tpu.memory_space<vmem>>, %arg17: memref<256x1024xf32, #tpu.memory_space<vmem>>, %arg18: memref<1x1024xf32, #tpu.memory_space<vmem>>, %arg19: memref<1024x256xf32, #tpu.memory_space<vmem>>, %arg20: memref<1x256xf32, #tpu.memory_space<vmem>>, %arg21: memref<1x256xf32, #tpu.memory_space<vmem>>, %arg22: memref<1x256xf32, #tpu.memory_space<vmem>>, %arg23: memref<2x128xf32, #tpu.memory_space<vmem>>, %arg24: memref<256x256xf32, #tpu.memory_space<vmem>>, %arg25: memref<1x256xf32, #tpu.memory_space<vmem>>, %arg26: memref<256x256xf32, #tpu.memory_space<vmem>>, %arg27: memref<1x256xf32, #tpu.memory_space<vmem>>, %arg28: memref<256x256xf32, #tpu.memory_space<vmem>>, %arg29: memref<1x256xf32, #tpu.memory_space<vmem>>, %arg30: memref<256x256xf32, #tpu.memory_space<vmem>>, %arg31: memref<1x256xf32, #tpu.memory_space<vmem>>, %arg32: memref<1x256xf32, #tpu.memory_space<vmem>>, %arg33: memref<1x256xf32, #tpu.memory_space<vmem>>, %arg34: memref<256x1024xf32, #tpu.memory_space<vmem>>, %arg35: memref<1x1024xf32, #tpu.memory_space<vmem>>, %arg36: memref<1024x256xf32, #tpu.memory_space<vmem>>, %arg37: memref<1x256xf32, #tpu.memory_space<vmem>>, %arg38: memref<1x256xf32, #tpu.memory_space<vmem>>, %arg39: memref<1x256xf32, #tpu.memory_space<vmem>>, %arg40: memref<256x64xf32, #tpu.memory_space<vmem>>, %arg41: memref<1x64xf32, #tpu.memory_space<vmem>>, %arg42: memref<128x64xf32, #tpu.memory_space<vmem>>) attributes {dimension_semantics = [#tpu.dimension_semantics<arbitrary>], iteration_bounds = array<i64: 64>, scalar_prefetch = 0 : i64, scratch_operands = 0 : i64, tpu.core_type = #tpu.core_type<tc>, window_params = [{transform_indices = @transform_0, window_bounds = array<i64: 128, 2>}, {transform_indices = @transform_1, window_bounds = array<i64: 2048, 384>}, {pipeline_mode = #tpu.pipeline_mode<synchronous>, transform_indices = @transform_2, window_bounds = array<i64: 2, 128>}, {pipeline_mode = #tpu.pipeline_mode<synchronous>, transform_indices = @transform_3, window_bounds = array<i64: 256, 8>}, {pipeline_mode = #tpu.pipeline_mode<synchronous>, transform_indices = @transform_4, window_bounds = array<i64: 8, 256>}, {pipeline_mode = #tpu.pipeline_mode<synchronous>, transform_indices = @transform_5, window_bounds = array<i64: 2, 128>}, {pipeline_mode = #tpu.pipeline_mode<synchronous>, transform_indices = @transform_6, window_bounds = array<i64: 256, 256>}, {pipeline_mode = #tpu.pipeline_mode<synchronous>, transform_indices = @transform_7, window_bounds = array<i64: 1, 256>}, {pipeline_mode = #tpu.pipeline_mode<synchronous>, transform_indices = @transform_8, window_bounds = array<i64: 256, 256>}, {pipeline_mode = #tpu.pipeline_mode<synchronous>, transform_indices = @transform_9, window_bounds = array<i64: 1, 256>}, {pipeline_mode = #tpu.pipeline_mode<synchronous>, transform_indices = @transform_10, window_bounds = array<i64: 256, 256>}, {pipeline_mode = #tpu.pipeline_mode<synchronous>, transform_indices = @transform_11, window_bounds = array<i64: 1, 256>}, {pipeline_mode = #tpu.pipeline_mode<synchronous>, transform_indices = @transform_12, window_bounds = array<i64: 256, 256>}, {pipeline_mode = #tpu.pipeline_mode<synchronous>, transform_indices = @transform_13, window_bounds = array<i64: 1, 256>}, {pipeline_mode = #tpu.pipeline_mode<synchronous>, transform_indices = @transform_14, window_bounds = array<i64: 1, 256>}, {pipeline_mode = #tpu.pipeline_mode<synchronous>, transform_indices = @transform_15, window_bounds = array<i64: 1, 256>}, {pipeline_mode = #tpu.pipeline_mode<synchronous>, transform_indices = @transform_16, window_bounds = array<i64: 256, 1024>}, {pipeline_mode = #tpu.pipeline_mode<synchronous>, transform_indices = @transform_17, window_bounds = array<i64: 1, 1024>}, {pipeline_mode = #tpu.pipeline_mode<synchronous>, transform_indices = @transform_18, window_bounds = array<i64: 1024, 256>}, {pipeline_mode = #tpu.pipeline_mode<synchronous>, transform_indices = @transform_19, window_bounds = array<i64: 1, 256>}, {pipeline_mode = #tpu.pipeline_mode<synchronous>, transform_indices = @transform_20, window_bounds = array<i64: 1, 256>}, {pipeline_mode = #tpu.pipeline_mode<synchronous>, transform_indices = @transform_21, window_bounds = array<i64: 1, 256>}, {pipeline_mode = #tpu.pipeline_mode<synchronous>, transform_indices = @transform_22, window_bounds = array<i64: 2, 128>}, {pipeline_mode = #tpu.pipeline_mode<synchronous>, transform_indices = @transform_23, window_bounds = array<i64: 256, 256>}, {pipeline_mode = #tpu.pipeline_mode<synchronous>, transform_indices = @transform_24, window_bounds = array<i64: 1, 256>}, {pipeline_mode = #tpu.pipeline_mode<synchronous>, transform_indices = @transform_25, window_bounds = array<i64: 256, 256>}, {pipeline_mode = #tpu.pipeline_mode<synchronous>, transform_indices = @transform_26, window_bounds = array<i64: 1, 256>}, {pipeline_mode = #tpu.pipeline_mode<synchronous>, transform_indices = @transform_27, window_bounds = array<i64: 256, 256>}, {pipeline_mode = #tpu.pipeline_mode<synchronous>, transform_indices = @transform_28, window_bounds = array<i64: 1, 256>}, {pipeline_mode = #tpu.pipeline_mode<synchronous>, transform_indices = @transform_29, window_bounds = array<i64: 256, 256>}, {pipeline_mode = #tpu.pipeline_mode<synchronous>, transform_indices = @transform_30, window_bounds = array<i64: 1, 256>}, {pipeline_mode = #tpu.pipeline_mode<synchronous>, transform_indices = @transform_31, window_bounds = array<i64: 1, 256>}, {pipeline_mode = #tpu.pipeline_mode<synchronous>, transform_indices = @transform_32, window_bounds = array<i64: 1, 256>}, {pipeline_mode = #tpu.pipeline_mode<synchronous>, transform_indices = @transform_33, window_bounds = array<i64: 256, 1024>}, {pipeline_mode = #tpu.pipeline_mode<synchronous>, transform_indices = @transform_34, window_bounds = array<i64: 1, 1024>}, {pipeline_mode = #tpu.pipeline_mode<synchronous>, transform_indices = @transform_35, window_bounds = array<i64: 1024, 256>}, {pipeline_mode = #tpu.pipeline_mode<synchronous>, transform_indices = @transform_36, window_bounds = array<i64: 1, 256>}, {pipeline_mode = #tpu.pipeline_mode<synchronous>, transform_indices = @transform_37, window_bounds = array<i64: 1, 256>}, {pipeline_mode = #tpu.pipeline_mode<synchronous>, transform_indices = @transform_38, window_bounds = array<i64: 1, 256>}, {pipeline_mode = #tpu.pipeline_mode<synchronous>, transform_indices = @transform_39, window_bounds = array<i64: 256, 64>}, {pipeline_mode = #tpu.pipeline_mode<synchronous>, transform_indices = @transform_40, window_bounds = array<i64: 1, 64>}, {transform_indices = @transform_41, window_bounds = array<i64: 128, 64>}]} {
    %get3A = arith.constant 0 : index
    %get3A_0 = arith.constant 0 : index
    %get3A_1 = vector.load %arg1[%get3A, %get3A_0] : memref<128x2xf32, #tpu.memory_space<vmem>>, vector<128x2xf32>
    %get3A_2 = arith.constant 0 : index
    %get3A_3 = arith.constant 0 : index
    %get3A_4 = vector.load %arg3[%get3A_2, %get3A_3] : memref<2x128xf32, #tpu.memory_space<vmem>>, vector<2x128xf32>
    %dot_general3A = arith.constant dense<0.000000e+00> : vector<128x128xf32>
    %dot_general3A_5 = tpu.matmul %get3A_1, %get3A_4, %dot_general3A {dimension_numbers = #tpu.dot_dimension_numbers<[1], [0], [0], [1], [0, 0, 1, 1], [], []>, transpose_lhs_hint = false} : vector<128x2xf32>, vector<2x128xf32>, vector<128x128xf32> -> vector<128x128xf32>
    %mul3A = arith.constant 5.000000e-01 : f32
    %mul3A_6 = vector.broadcast %mul3A : f32 to vector<128x128xf32>
    %mul3A_7 = arith.mulf %mul3A_6, %dot_general3A_5 : vector<128x128xf32>
    %mul3A_8 = arith.mulf %mul3A_7, %mul3A_7 : vector<128x128xf32>
    %div3A = arith.constant 3.991680e+07 : f32
    %div3A_9 = vector.broadcast %div3A : f32 to vector<128x128xf32>
    %div3A_10 = arith.divf %mul3A_8, %div3A_9 : vector<128x128xf32>
    %sub3A = arith.constant 2.75573188E-6 : f32
    %sub3A_11 = vector.broadcast %sub3A : f32 to vector<128x128xf32>
    %sub3A_12 = arith.subf %sub3A_11, %div3A_10 : vector<128x128xf32>
    %mul3A_13 = arith.mulf %mul3A_8, %sub3A_12 : vector<128x128xf32>
    %add3A = arith.constant -1.98412701E-4 : f32
    %add3A_14 = vector.broadcast %add3A : f32 to vector<128x128xf32>
    %add3A_15 = arith.addf %add3A_14, %mul3A_13 : vector<128x128xf32>
    %mul3A_16 = arith.mulf %mul3A_8, %add3A_15 : vector<128x128xf32>
    %add3A_17 = arith.constant 0.00833333377 : f32
    %add3A_18 = vector.broadcast %add3A_17 : f32 to vector<128x128xf32>
    %add3A_19 = arith.addf %add3A_18, %mul3A_16 : vector<128x128xf32>
    %mul3A_20 = arith.mulf %mul3A_8, %add3A_19 : vector<128x128xf32>
    %add3A_21 = arith.constant -0.166666672 : f32
    %add3A_22 = vector.broadcast %add3A_21 : f32 to vector<128x128xf32>
    %add3A_23 = arith.addf %add3A_22, %mul3A_20 : vector<128x128xf32>
    %mul3A_24 = arith.mulf %mul3A_8, %add3A_23 : vector<128x128xf32>
    %add3A_25 = arith.constant 1.000000e+00 : f32
    %add3A_26 = vector.broadcast %add3A_25 : f32 to vector<128x128xf32>
    %add3A_27 = arith.addf %add3A_26, %mul3A_24 : vector<128x128xf32>
    %mul3A_28 = arith.mulf %mul3A_7, %add3A_27 : vector<128x128xf32>
    %div3A_29 = arith.constant 0x4DE467E0 : f32
    %div3A_30 = vector.broadcast %div3A_29 : f32 to vector<128x128xf32>
    %div3A_31 = arith.divf %mul3A_8, %div3A_30 : vector<128x128xf32>
    %add3A_32 = arith.constant -2.755732E-7 : f32
    %add3A_33 = vector.broadcast %add3A_32 : f32 to vector<128x128xf32>
    %add3A_34 = arith.addf %add3A_33, %div3A_31 : vector<128x128xf32>
    %mul3A_35 = arith.mulf %mul3A_8, %add3A_34 : vector<128x128xf32>
    %add3A_36 = arith.constant 2.48015876E-5 : f32
    %add3A_37 = vector.broadcast %add3A_36 : f32 to vector<128x128xf32>
    %add3A_38 = arith.addf %add3A_37, %mul3A_35 : vector<128x128xf32>
    %mul3A_39 = arith.mulf %mul3A_8, %add3A_38 : vector<128x128xf32>
    %add3A_40 = arith.constant -0.00138888892 : f32
    %add3A_41 = vector.broadcast %add3A_40 : f32 to vector<128x128xf32>
    %add3A_42 = arith.addf %add3A_41, %mul3A_39 : vector<128x128xf32>
    %mul3A_43 = arith.mulf %mul3A_8, %add3A_42 : vector<128x128xf32>
    %add3A_44 = arith.constant 0.0416666679 : f32
    %add3A_45 = vector.broadcast %add3A_44 : f32 to vector<128x128xf32>
    %add3A_46 = arith.addf %add3A_45, %mul3A_43 : vector<128x128xf32>
    %mul3A_47 = arith.mulf %mul3A_8, %add3A_46 : vector<128x128xf32>
    %add3A_48 = arith.constant -5.000000e-01 : f32
    %add3A_49 = vector.broadcast %add3A_48 : f32 to vector<128x128xf32>
    %add3A_50 = arith.addf %add3A_49, %mul3A_47 : vector<128x128xf32>
    %mul3A_51 = arith.mulf %mul3A_8, %add3A_50 : vector<128x128xf32>
    %add3A_52 = arith.constant 1.000000e+00 : f32
    %add3A_53 = vector.broadcast %add3A_52 : f32 to vector<128x128xf32>
    %add3A_54 = arith.addf %add3A_53, %mul3A_51 : vector<128x128xf32>
    %mul3A_55 = arith.constant 2.000000e+00 : f32
    %mul3A_56 = vector.broadcast %mul3A_55 : f32 to vector<128x128xf32>
    %mul3A_57 = arith.mulf %mul3A_56, %mul3A_28 : vector<128x128xf32>
    %mul3A_58 = arith.mulf %mul3A_57, %add3A_54 : vector<128x128xf32>
    %mul3A_59 = arith.constant 2.000000e+00 : f32
    %mul3A_60 = vector.broadcast %mul3A_59 : f32 to vector<128x128xf32>
    %mul3A_61 = arith.mulf %mul3A_60, %mul3A_28 : vector<128x128xf32>
    %mul3A_62 = arith.mulf %mul3A_61, %mul3A_28 : vector<128x128xf32>
    %sub3A_63 = arith.constant 1.000000e+00 : f32
    %sub3A_64 = vector.broadcast %sub3A_63 : f32 to vector<128x128xf32>
    %sub3A_65 = arith.subf %sub3A_64, %mul3A_62 : vector<128x128xf32>
    %concatenate3A = tpu.concatenate %mul3A_58, %sub3A_65 in 1 : vector<128x128xf32>, vector<128x128xf32> -> vector<128x256xf32>
    %get3A_66 = arith.constant 0 : index
    %get3A_67 = arith.constant 0 : index
    %get3A_68 = vector.load %arg2[%get3A_66, %get3A_67] : memref<2048x384xf32, #tpu.memory_space<vmem>>, vector<2048x384xf32>
    %slice3A = vector.extract_strided_slice %get3A_68 {offsets = [0, 0], sizes = [2048, 256], strides = [1, 1]} : vector<2048x384xf32> to vector<2048x256xf32>
    %reshape3A = vector.shape_cast %get3A_1 : vector<128x2xf32> to vector<128x1x2xf32>
    %broadcast_in_dim3A = vector.shape_cast %reshape3A : vector<128x1x2xf32> to vector<128x1x2xf32>
    %broadcast_in_dim3A_69 = vector.broadcast %broadcast_in_dim3A : vector<128x1x2xf32> to vector<128x16x2xf32>
    %reshape3A_70 = vector.shape_cast %broadcast_in_dim3A_69 : vector<128x16x2xf32> to vector<2048x2xf32>
    %slice3A_71 = vector.extract_strided_slice %get3A_68 {offsets = [0, 256], sizes = [2048, 2], strides = [1, 1]} : vector<2048x384xf32> to vector<2048x2xf32>
    %sub3A_72 = arith.subf %slice3A_71, %reshape3A_70 : vector<2048x2xf32>
    %get3A_73 = arith.constant 0 : index
    %get3A_74 = arith.constant 0 : index
    %get3A_75 = vector.load %arg4[%get3A_73, %get3A_74] : memref<256x8xf32, #tpu.memory_space<vmem>>, vector<256x8xf32>
    %get3A_76 = arith.constant 0 : index
    %get3A_77 = arith.constant 0 : index
    %get3A_78 = vector.load %arg5[%get3A_76, %get3A_77] : memref<8x256xf32, #tpu.memory_space<vmem>>, vector<8x256xf32>
    %get3A_79 = arith.constant 0 : index
    %get3A_80 = arith.constant 0 : index
    %get3A_81 = vector.load %arg6[%get3A_79, %get3A_80] : memref<2x128xf32, #tpu.memory_space<vmem>>, vector<2x128xf32>
    %get3A_82 = arith.constant 0 : index
    %get3A_83 = arith.constant 0 : index
    %get3A_84 = vector.load %arg7[%get3A_82, %get3A_83] : memref<256x256xf32, #tpu.memory_space<vmem>>, vector<256x256xf32>
    %get3A_85 = arith.constant 0 : index
    %get3A_86 = arith.constant 0 : index
    %get3A_87 = vector.load %arg8[%get3A_85, %get3A_86] : memref<1x256xf32, #tpu.memory_space<vmem>>, vector<1x256xf32>
    %get3A_88 = arith.constant 0 : index
    %get3A_89 = arith.constant 0 : index
    %get3A_90 = vector.load %arg9[%get3A_88, %get3A_89] : memref<256x256xf32, #tpu.memory_space<vmem>>, vector<256x256xf32>
    %get3A_91 = arith.constant 0 : index
    %get3A_92 = arith.constant 0 : index
    %get3A_93 = vector.load %arg10[%get3A_91, %get3A_92] : memref<1x256xf32, #tpu.memory_space<vmem>>, vector<1x256xf32>
    %get3A_94 = arith.constant 0 : index
    %get3A_95 = arith.constant 0 : index
    %get3A_96 = vector.load %arg11[%get3A_94, %get3A_95] : memref<256x256xf32, #tpu.memory_space<vmem>>, vector<256x256xf32>
    %get3A_97 = arith.constant 0 : index
    %get3A_98 = arith.constant 0 : index
    %get3A_99 = vector.load %arg12[%get3A_97, %get3A_98] : memref<1x256xf32, #tpu.memory_space<vmem>>, vector<1x256xf32>
    %get3A_100 = arith.constant 0 : index
    %get3A_101 = arith.constant 0 : index
    %get3A_102 = vector.load %arg13[%get3A_100, %get3A_101] : memref<256x256xf32, #tpu.memory_space<vmem>>, vector<256x256xf32>
    %get3A_103 = arith.constant 0 : index
    %get3A_104 = arith.constant 0 : index
    %get3A_105 = vector.load %arg14[%get3A_103, %get3A_104] : memref<1x256xf32, #tpu.memory_space<vmem>>, vector<1x256xf32>
    %get3A_106 = arith.constant 0 : index
    %get3A_107 = arith.constant 0 : index
    %get3A_108 = vector.load %arg15[%get3A_106, %get3A_107] : memref<1x256xf32, #tpu.memory_space<vmem>>, vector<1x256xf32>
    %get3A_109 = arith.constant 0 : index
    %get3A_110 = arith.constant 0 : index
    %get3A_111 = vector.load %arg16[%get3A_109, %get3A_110] : memref<1x256xf32, #tpu.memory_space<vmem>>, vector<1x256xf32>
    %get3A_112 = arith.constant 0 : index
    %get3A_113 = arith.constant 0 : index
    %get3A_114 = vector.load %arg17[%get3A_112, %get3A_113] : memref<256x1024xf32, #tpu.memory_space<vmem>>, vector<256x1024xf32>
    %get3A_115 = arith.constant 0 : index
    %get3A_116 = arith.constant 0 : index
    %get3A_117 = vector.load %arg18[%get3A_115, %get3A_116] : memref<1x1024xf32, #tpu.memory_space<vmem>>, vector<1x1024xf32>
    %get3A_118 = arith.constant 0 : index
    %get3A_119 = arith.constant 0 : index
    %get3A_120 = vector.load %arg19[%get3A_118, %get3A_119] : memref<1024x256xf32, #tpu.memory_space<vmem>>, vector<1024x256xf32>
    %get3A_121 = arith.constant 0 : index
    %get3A_122 = arith.constant 0 : index
    %get3A_123 = vector.load %arg20[%get3A_121, %get3A_122] : memref<1x256xf32, #tpu.memory_space<vmem>>, vector<1x256xf32>
    %get3A_124 = arith.constant 0 : index
    %get3A_125 = arith.constant 0 : index
    %get3A_126 = vector.load %arg21[%get3A_124, %get3A_125] : memref<1x256xf32, #tpu.memory_space<vmem>>, vector<1x256xf32>
    %get3A_127 = arith.constant 0 : index
    %get3A_128 = arith.constant 0 : index
    %get3A_129 = vector.load %arg22[%get3A_127, %get3A_128] : memref<1x256xf32, #tpu.memory_space<vmem>>, vector<1x256xf32>
    %dot_general3A_130 = arith.constant dense<0.000000e+00> : vector<2048x128xf32>
    %dot_general3A_131 = tpu.matmul %sub3A_72, %get3A_81, %dot_general3A_130 {dimension_numbers = #tpu.dot_dimension_numbers<[1], [0], [0], [1], [0, 0, 1, 1], [], []>, transpose_lhs_hint = false} : vector<2048x2xf32>, vector<2x128xf32>, vector<2048x128xf32> -> vector<2048x128xf32>
    %mul3A_132 = arith.constant 5.000000e-01 : f32
    %mul3A_133 = vector.broadcast %mul3A_132 : f32 to vector<2048x128xf32>
    %mul3A_134 = arith.mulf %mul3A_133, %dot_general3A_131 : vector<2048x128xf32>
    %mul3A_135 = arith.mulf %mul3A_134, %mul3A_134 : vector<2048x128xf32>
    %div3A_136 = arith.constant 3.991680e+07 : f32
    %div3A_137 = vector.broadcast %div3A_136 : f32 to vector<2048x128xf32>
    %div3A_138 = arith.divf %mul3A_135, %div3A_137 : vector<2048x128xf32>
    %sub3A_139 = arith.constant 2.75573188E-6 : f32
    %sub3A_140 = vector.broadcast %sub3A_139 : f32 to vector<2048x128xf32>
    %sub3A_141 = arith.subf %sub3A_140, %div3A_138 : vector<2048x128xf32>
    %mul3A_142 = arith.mulf %mul3A_135, %sub3A_141 : vector<2048x128xf32>
    %add3A_143 = arith.constant -1.98412701E-4 : f32
    %add3A_144 = vector.broadcast %add3A_143 : f32 to vector<2048x128xf32>
    %add3A_145 = arith.addf %add3A_144, %mul3A_142 : vector<2048x128xf32>
    %mul3A_146 = arith.mulf %mul3A_135, %add3A_145 : vector<2048x128xf32>
    %add3A_147 = arith.constant 0.00833333377 : f32
    %add3A_148 = vector.broadcast %add3A_147 : f32 to vector<2048x128xf32>
    %add3A_149 = arith.addf %add3A_148, %mul3A_146 : vector<2048x128xf32>
    %mul3A_150 = arith.mulf %mul3A_135, %add3A_149 : vector<2048x128xf32>
    %add3A_151 = arith.constant -0.166666672 : f32
    %add3A_152 = vector.broadcast %add3A_151 : f32 to vector<2048x128xf32>
    %add3A_153 = arith.addf %add3A_152, %mul3A_150 : vector<2048x128xf32>
    %mul3A_154 = arith.mulf %mul3A_135, %add3A_153 : vector<2048x128xf32>
    %add3A_155 = arith.constant 1.000000e+00 : f32
    %add3A_156 = vector.broadcast %add3A_155 : f32 to vector<2048x128xf32>
    %add3A_157 = arith.addf %add3A_156, %mul3A_154 : vector<2048x128xf32>
    %mul3A_158 = arith.mulf %mul3A_134, %add3A_157 : vector<2048x128xf32>
    %div3A_159 = arith.constant 0x4DE467E0 : f32
    %div3A_160 = vector.broadcast %div3A_159 : f32 to vector<2048x128xf32>
    %div3A_161 = arith.divf %mul3A_135, %div3A_160 : vector<2048x128xf32>
    %add3A_162 = arith.constant -2.755732E-7 : f32
    %add3A_163 = vector.broadcast %add3A_162 : f32 to vector<2048x128xf32>
    %add3A_164 = arith.addf %add3A_163, %div3A_161 : vector<2048x128xf32>
    %mul3A_165 = arith.mulf %mul3A_135, %add3A_164 : vector<2048x128xf32>
    %add3A_166 = arith.constant 2.48015876E-5 : f32
    %add3A_167 = vector.broadcast %add3A_166 : f32 to vector<2048x128xf32>
    %add3A_168 = arith.addf %add3A_167, %mul3A_165 : vector<2048x128xf32>
    %mul3A_169 = arith.mulf %mul3A_135, %add3A_168 : vector<2048x128xf32>
    %add3A_170 = arith.constant -0.00138888892 : f32
    %add3A_171 = vector.broadcast %add3A_170 : f32 to vector<2048x128xf32>
    %add3A_172 = arith.addf %add3A_171, %mul3A_169 : vector<2048x128xf32>
    %mul3A_173 = arith.mulf %mul3A_135, %add3A_172 : vector<2048x128xf32>
    %add3A_174 = arith.constant 0.0416666679 : f32
    %add3A_175 = vector.broadcast %add3A_174 : f32 to vector<2048x128xf32>
    %add3A_176 = arith.addf %add3A_175, %mul3A_173 : vector<2048x128xf32>
    %mul3A_177 = arith.mulf %mul3A_135, %add3A_176 : vector<2048x128xf32>
    %add3A_178 = arith.constant -5.000000e-01 : f32
    %add3A_179 = vector.broadcast %add3A_178 : f32 to vector<2048x128xf32>
    %add3A_180 = arith.addf %add3A_179, %mul3A_177 : vector<2048x128xf32>
    %mul3A_181 = arith.mulf %mul3A_135, %add3A_180 : vector<2048x128xf32>
    %add3A_182 = arith.constant 1.000000e+00 : f32
    %add3A_183 = vector.broadcast %add3A_182 : f32 to vector<2048x128xf32>
    %add3A_184 = arith.addf %add3A_183, %mul3A_181 : vector<2048x128xf32>
    %mul3A_185 = arith.constant 2.000000e+00 : f32
    %mul3A_186 = vector.broadcast %mul3A_185 : f32 to vector<2048x128xf32>
    %mul3A_187 = arith.mulf %mul3A_186, %mul3A_158 : vector<2048x128xf32>
    %mul3A_188 = arith.mulf %mul3A_187, %add3A_184 : vector<2048x128xf32>
    %mul3A_189 = arith.constant 2.000000e+00 : f32
    %mul3A_190 = vector.broadcast %mul3A_189 : f32 to vector<2048x128xf32>
    %mul3A_191 = arith.mulf %mul3A_190, %mul3A_158 : vector<2048x128xf32>
    %mul3A_192 = arith.mulf %mul3A_191, %mul3A_158 : vector<2048x128xf32>
    %sub3A_193 = arith.constant 1.000000e+00 : f32
    %sub3A_194 = vector.broadcast %sub3A_193 : f32 to vector<2048x128xf32>
    %sub3A_195 = arith.subf %sub3A_194, %mul3A_192 : vector<2048x128xf32>
    %concatenate3A_196 = tpu.concatenate %mul3A_188, %sub3A_195 in 1 : vector<2048x128xf32>, vector<2048x128xf32> -> vector<2048x256xf32>
    %add3A_197 = arith.addf %slice3A, %concatenate3A_196 : vector<2048x256xf32>
    %dot_general3A_198 = arith.constant dense<0.000000e+00> : vector<128x256xf32>
    %dot_general3A_199 = tpu.matmul %concatenate3A, %get3A_84, %dot_general3A_198 {dimension_numbers = #tpu.dot_dimension_numbers<[1], [0], [0], [1], [0, 0, 1, 1], [], []>, transpose_lhs_hint = false} : vector<128x256xf32>, vector<256x256xf32>, vector<128x256xf32> -> vector<128x256xf32>
    %add3A_200 = vector.broadcast %get3A_87 : vector<1x256xf32> to vector<128x256xf32>
    %add3A_201 = arith.addf %dot_general3A_199, %add3A_200 : vector<128x256xf32>
    %dot_general3A_202 = arith.constant dense<0.000000e+00> : vector<2048x256xf32>
    %dot_general3A_203 = tpu.matmul %add3A_197, %get3A_90, %dot_general3A_202 {dimension_numbers = #tpu.dot_dimension_numbers<[1], [0], [0], [1], [0, 0, 1, 1], [], []>, transpose_lhs_hint = false} : vector<2048x256xf32>, vector<256x256xf32>, vector<2048x256xf32> -> vector<2048x256xf32>
    %add3A_204 = vector.broadcast %get3A_93 : vector<1x256xf32> to vector<2048x256xf32>
    %add3A_205 = arith.addf %dot_general3A_203, %add3A_204 : vector<2048x256xf32>
    %dot_general3A_206 = arith.constant dense<0.000000e+00> : vector<2048x256xf32>
    %dot_general3A_207 = tpu.matmul %add3A_197, %get3A_96, %dot_general3A_206 {dimension_numbers = #tpu.dot_dimension_numbers<[1], [0], [0], [1], [0, 0, 1, 1], [], []>, transpose_lhs_hint = false} : vector<2048x256xf32>, vector<256x256xf32>, vector<2048x256xf32> -> vector<2048x256xf32>
    %add3A_208 = vector.broadcast %get3A_99 : vector<1x256xf32> to vector<2048x256xf32>
    %add3A_209 = arith.addf %dot_general3A_207, %add3A_208 : vector<2048x256xf32>
    %reshape3A_210 = vector.shape_cast %add3A_201 : vector<128x256xf32> to vector<128x1x256xf32>
    %broadcast_in_dim3A_211 = vector.shape_cast %reshape3A_210 : vector<128x1x256xf32> to vector<128x1x256xf32>
    %broadcast_in_dim3A_212 = vector.broadcast %broadcast_in_dim3A_211 : vector<128x1x256xf32> to vector<128x16x256xf32>
    %reshape3A_213 = vector.shape_cast %broadcast_in_dim3A_212 : vector<128x16x256xf32> to vector<2048x256xf32>
    %mul3A_214 = arith.mulf %reshape3A_213, %add3A_205 : vector<2048x256xf32>
    %dot_general3A_215 = arith.constant dense<0.000000e+00> : vector<2048x8xf32>
    %dot_general3A_216 = tpu.matmul %mul3A_214, %get3A_75, %dot_general3A_215 {dimension_numbers = #tpu.dot_dimension_numbers<[1], [0], [0], [1], [0, 0, 1, 1], [], []>, transpose_lhs_hint = false} : vector<2048x256xf32>, vector<256x8xf32>, vector<2048x8xf32> -> vector<2048x8xf32>
    %reshape3A_217 = vector.shape_cast %dot_general3A_216 : vector<2048x8xf32> to vector<128x16x8xf32>
    %reduce_max3A = arith.constant dense<0xFF800000> : vector<128x8xf32>
    %reduce_max3A_218 = vector.multi_reduction <maximumf>, %reshape3A_217, %reduce_max3A [1] : vector<128x16x8xf32> to vector<128x8xf32>
    %broadcast_in_dim3A_219 = vector.shape_cast %reduce_max3A_218 : vector<128x8xf32> to vector<128x1x8xf32>
    %sub3A_220 = vector.broadcast %broadcast_in_dim3A_219 : vector<128x1x8xf32> to vector<128x16x8xf32>
    %sub3A_221 = arith.subf %reshape3A_217, %sub3A_220 : vector<128x16x8xf32>
    %exp3A = math.exp %sub3A_221 : vector<128x16x8xf32>
    %reduce_sum3A = arith.constant dense<0.000000e+00> : vector<128x8xf32>
    %reduce_sum3A_222 = vector.multi_reduction <add>, %exp3A, %reduce_sum3A [1] : vector<128x16x8xf32> to vector<128x8xf32>
    %broadcast_in_dim3A_223 = vector.shape_cast %reduce_sum3A_222 : vector<128x8xf32> to vector<128x1x8xf32>
    %div3A_224 = vector.broadcast %broadcast_in_dim3A_223 : vector<128x1x8xf32> to vector<128x16x8xf32>
    %div3A_225 = arith.divf %exp3A, %div3A_224 : vector<128x16x8xf32>
    %reshape3A_226 = vector.shape_cast %div3A_225 : vector<128x16x8xf32> to vector<2048x8xf32>
    %dot_general3A_227 = arith.constant dense<0.000000e+00> : vector<2048x256xf32>
    %dot_general3A_228 = tpu.matmul %reshape3A_226, %get3A_78, %dot_general3A_227 {dimension_numbers = #tpu.dot_dimension_numbers<[1], [0], [0], [1], [0, 0, 1, 1], [], []>, transpose_lhs_hint = false} : vector<2048x8xf32>, vector<8x256xf32>, vector<2048x256xf32> -> vector<2048x256xf32>
    %mul3A_229 = arith.mulf %dot_general3A_228, %add3A_209 : vector<2048x256xf32>
    %reshape3A_230 = vector.shape_cast %mul3A_229 : vector<2048x256xf32> to vector<128x16x256xf32>
    %reduce_sum3A_231 = arith.constant dense<0.000000e+00> : vector<128x256xf32>
    %reduce_sum3A_232 = vector.multi_reduction <add>, %reshape3A_230, %reduce_sum3A_231 [1] : vector<128x16x256xf32> to vector<128x256xf32>
    %dot_general3A_233 = arith.constant dense<0.000000e+00> : vector<128x256xf32>
    %dot_general3A_234 = tpu.matmul %reduce_sum3A_232, %get3A_102, %dot_general3A_233 {dimension_numbers = #tpu.dot_dimension_numbers<[1], [0], [0], [1], [0, 0, 1, 1], [], []>, transpose_lhs_hint = false} : vector<128x256xf32>, vector<256x256xf32>, vector<128x256xf32> -> vector<128x256xf32>
    %add3A_235 = vector.broadcast %get3A_105 : vector<1x256xf32> to vector<128x256xf32>
    %add3A_236 = arith.addf %dot_general3A_234, %add3A_235 : vector<128x256xf32>
    %add3A_237 = arith.addf %concatenate3A, %add3A_236 : vector<128x256xf32>
    %reduce_sum3A_238 = arith.constant dense<0.000000e+00> : vector<128xf32>
    %reduce_sum3A_239 = vector.multi_reduction <add>, %add3A_237, %reduce_sum3A_238 [1] : vector<128x256xf32> to vector<128xf32>
    %broadcast_in_dim3A_240 = vector.shape_cast %reduce_sum3A_239 : vector<128xf32> to vector<128x1xf32>
    %div3A_241 = arith.constant 2.560000e+02 : f32
    %div3A_242 = vector.broadcast %div3A_241 : f32 to vector<128x1xf32>
    %div3A_243 = arith.divf %broadcast_in_dim3A_240, %div3A_242 : vector<128x1xf32>
    %sub3A_244 = vector.broadcast %div3A_243 : vector<128x1xf32> to vector<128x256xf32>
    %sub3A_245 = arith.subf %add3A_237, %sub3A_244 : vector<128x256xf32>
    %mul3A_246 = arith.mulf %sub3A_245, %sub3A_245 : vector<128x256xf32>
    %reduce_sum3A_247 = arith.constant dense<0.000000e+00> : vector<128xf32>
    %reduce_sum3A_248 = vector.multi_reduction <add>, %mul3A_246, %reduce_sum3A_247 [1] : vector<128x256xf32> to vector<128xf32>
    %broadcast_in_dim3A_249 = vector.shape_cast %reduce_sum3A_248 : vector<128xf32> to vector<128x1xf32>
    %div3A_250 = arith.constant 2.560000e+02 : f32
    %div3A_251 = vector.broadcast %div3A_250 : f32 to vector<128x1xf32>
    %div3A_252 = arith.divf %broadcast_in_dim3A_249, %div3A_251 : vector<128x1xf32>
    %add3A_253 = arith.constant 9.99999974E-6 : f32
    %add3A_254 = vector.broadcast %add3A_253 : f32 to vector<128x1xf32>
    %add3A_255 = arith.addf %div3A_252, %add3A_254 : vector<128x1xf32>
    %sqrt3A = math.sqrt %add3A_255 : vector<128x1xf32>
    %div3A_256 = vector.broadcast %sqrt3A : vector<128x1xf32> to vector<128x256xf32>
    %div3A_257 = arith.divf %sub3A_245, %div3A_256 : vector<128x256xf32>
    %mul3A_258 = vector.broadcast %get3A_108 : vector<1x256xf32> to vector<128x256xf32>
    %mul3A_259 = arith.mulf %div3A_257, %mul3A_258 : vector<128x256xf32>
    %add3A_260 = vector.broadcast %get3A_111 : vector<1x256xf32> to vector<128x256xf32>
    %add3A_261 = arith.addf %mul3A_259, %add3A_260 : vector<128x256xf32>
    %dot_general3A_262 = arith.constant dense<0.000000e+00> : vector<128x1024xf32>
    %dot_general3A_263 = tpu.matmul %add3A_261, %get3A_114, %dot_general3A_262 {dimension_numbers = #tpu.dot_dimension_numbers<[1], [0], [0], [1], [0, 0, 1, 1], [], []>, transpose_lhs_hint = false} : vector<128x256xf32>, vector<256x1024xf32>, vector<128x1024xf32> -> vector<128x1024xf32>
    %add3A_264 = vector.broadcast %get3A_117 : vector<1x1024xf32> to vector<128x1024xf32>
    %add3A_265 = arith.addf %dot_general3A_263, %add3A_264 : vector<128x1024xf32>
    %integer_pow3A = arith.mulf %add3A_265, %add3A_265 : vector<128x1024xf32>
    %integer_pow3A_266 = arith.mulf %add3A_265, %integer_pow3A : vector<128x1024xf32>
    %mul3A_267 = arith.constant 4.471500e-02 : f32
    %mul3A_268 = vector.broadcast %mul3A_267 : f32 to vector<128x1024xf32>
    %mul3A_269 = arith.mulf %mul3A_268, %integer_pow3A_266 : vector<128x1024xf32>
    %add3A_270 = arith.addf %add3A_265, %mul3A_269 : vector<128x1024xf32>
    %mul3A_271 = arith.constant 0.797884583 : f32
    %mul3A_272 = vector.broadcast %mul3A_271 : f32 to vector<128x1024xf32>
    %mul3A_273 = arith.mulf %mul3A_272, %add3A_270 : vector<128x1024xf32>
    %tanh3A = math.tanh %mul3A_273 : vector<128x1024xf32>
    %add3A_274 = arith.constant 1.000000e+00 : f32
    %add3A_275 = vector.broadcast %add3A_274 : f32 to vector<128x1024xf32>
    %add3A_276 = arith.addf %add3A_275, %tanh3A : vector<128x1024xf32>
    %mul3A_277 = arith.constant 5.000000e-01 : f32
    %mul3A_278 = vector.broadcast %mul3A_277 : f32 to vector<128x1024xf32>
    %mul3A_279 = arith.mulf %mul3A_278, %add3A_276 : vector<128x1024xf32>
    %mul3A_280 = arith.mulf %add3A_265, %mul3A_279 : vector<128x1024xf32>
    %dot_general3A_281 = arith.constant dense<0.000000e+00> : vector<128x256xf32>
    %dot_general3A_282 = tpu.matmul %mul3A_280, %get3A_120, %dot_general3A_281 {dimension_numbers = #tpu.dot_dimension_numbers<[1], [0], [0], [1], [0, 0, 1, 1], [], []>, transpose_lhs_hint = false} : vector<128x1024xf32>, vector<1024x256xf32>, vector<128x256xf32> -> vector<128x256xf32>
    %add3A_283 = vector.broadcast %get3A_123 : vector<1x256xf32> to vector<128x256xf32>
    %add3A_284 = arith.addf %dot_general3A_282, %add3A_283 : vector<128x256xf32>
    %add3A_285 = arith.addf %add3A_261, %add3A_284 : vector<128x256xf32>
    %reduce_sum3A_286 = arith.constant dense<0.000000e+00> : vector<128xf32>
    %reduce_sum3A_287 = vector.multi_reduction <add>, %add3A_285, %reduce_sum3A_286 [1] : vector<128x256xf32> to vector<128xf32>
    %broadcast_in_dim3A_288 = vector.shape_cast %reduce_sum3A_287 : vector<128xf32> to vector<128x1xf32>
    %div3A_289 = arith.constant 2.560000e+02 : f32
    %div3A_290 = vector.broadcast %div3A_289 : f32 to vector<128x1xf32>
    %div3A_291 = arith.divf %broadcast_in_dim3A_288, %div3A_290 : vector<128x1xf32>
    %sub3A_292 = vector.broadcast %div3A_291 : vector<128x1xf32> to vector<128x256xf32>
    %sub3A_293 = arith.subf %add3A_285, %sub3A_292 : vector<128x256xf32>
    %mul3A_294 = arith.mulf %sub3A_293, %sub3A_293 : vector<128x256xf32>
    %reduce_sum3A_295 = arith.constant dense<0.000000e+00> : vector<128xf32>
    %reduce_sum3A_296 = vector.multi_reduction <add>, %mul3A_294, %reduce_sum3A_295 [1] : vector<128x256xf32> to vector<128xf32>
    %broadcast_in_dim3A_297 = vector.shape_cast %reduce_sum3A_296 : vector<128xf32> to vector<128x1xf32>
    %div3A_298 = arith.constant 2.560000e+02 : f32
    %div3A_299 = vector.broadcast %div3A_298 : f32 to vector<128x1xf32>
    %div3A_300 = arith.divf %broadcast_in_dim3A_297, %div3A_299 : vector<128x1xf32>
    %add3A_301 = arith.constant 9.99999974E-6 : f32
    %add3A_302 = vector.broadcast %add3A_301 : f32 to vector<128x1xf32>
    %add3A_303 = arith.addf %div3A_300, %add3A_302 : vector<128x1xf32>
    %sqrt3A_304 = math.sqrt %add3A_303 : vector<128x1xf32>
    %div3A_305 = vector.broadcast %sqrt3A_304 : vector<128x1xf32> to vector<128x256xf32>
    %div3A_306 = arith.divf %sub3A_293, %div3A_305 : vector<128x256xf32>
    %mul3A_307 = vector.broadcast %get3A_126 : vector<1x256xf32> to vector<128x256xf32>
    %mul3A_308 = arith.mulf %div3A_306, %mul3A_307 : vector<128x256xf32>
    %add3A_309 = vector.broadcast %get3A_129 : vector<1x256xf32> to vector<128x256xf32>
    %add3A_310 = arith.addf %mul3A_308, %add3A_309 : vector<128x256xf32>
    %get3A_311 = arith.constant 0 : index
    %get3A_312 = arith.constant 0 : index
    %get3A_313 = vector.load %arg23[%get3A_311, %get3A_312] : memref<2x128xf32, #tpu.memory_space<vmem>>, vector<2x128xf32>
    %get3A_314 = arith.constant 0 : index
    %get3A_315 = arith.constant 0 : index
    %get3A_316 = vector.load %arg24[%get3A_314, %get3A_315] : memref<256x256xf32, #tpu.memory_space<vmem>>, vector<256x256xf32>
    %get3A_317 = arith.constant 0 : index
    %get3A_318 = arith.constant 0 : index
    %get3A_319 = vector.load %arg25[%get3A_317, %get3A_318] : memref<1x256xf32, #tpu.memory_space<vmem>>, vector<1x256xf32>
    %get3A_320 = arith.constant 0 : index
    %get3A_321 = arith.constant 0 : index
    %get3A_322 = vector.load %arg26[%get3A_320, %get3A_321] : memref<256x256xf32, #tpu.memory_space<vmem>>, vector<256x256xf32>
    %get3A_323 = arith.constant 0 : index
    %get3A_324 = arith.constant 0 : index
    %get3A_325 = vector.load %arg27[%get3A_323, %get3A_324] : memref<1x256xf32, #tpu.memory_space<vmem>>, vector<1x256xf32>
    %get3A_326 = arith.constant 0 : index
    %get3A_327 = arith.constant 0 : index
    %get3A_328 = vector.load %arg28[%get3A_326, %get3A_327] : memref<256x256xf32, #tpu.memory_space<vmem>>, vector<256x256xf32>
    %get3A_329 = arith.constant 0 : index
    %get3A_330 = arith.constant 0 : index
    %get3A_331 = vector.load %arg29[%get3A_329, %get3A_330] : memref<1x256xf32, #tpu.memory_space<vmem>>, vector<1x256xf32>
    %get3A_332 = arith.constant 0 : index
    %get3A_333 = arith.constant 0 : index
    %get3A_334 = vector.load %arg30[%get3A_332, %get3A_333] : memref<256x256xf32, #tpu.memory_space<vmem>>, vector<256x256xf32>
    %get3A_335 = arith.constant 0 : index
    %get3A_336 = arith.constant 0 : index
    %get3A_337 = vector.load %arg31[%get3A_335, %get3A_336] : memref<1x256xf32, #tpu.memory_space<vmem>>, vector<1x256xf32>
    %get3A_338 = arith.constant 0 : index
    %get3A_339 = arith.constant 0 : index
    %get3A_340 = vector.load %arg32[%get3A_338, %get3A_339] : memref<1x256xf32, #tpu.memory_space<vmem>>, vector<1x256xf32>
    %get3A_341 = arith.constant 0 : index
    %get3A_342 = arith.constant 0 : index
    %get3A_343 = vector.load %arg33[%get3A_341, %get3A_342] : memref<1x256xf32, #tpu.memory_space<vmem>>, vector<1x256xf32>
    %get3A_344 = arith.constant 0 : index
    %get3A_345 = arith.constant 0 : index
    %get3A_346 = vector.load %arg34[%get3A_344, %get3A_345] : memref<256x1024xf32, #tpu.memory_space<vmem>>, vector<256x1024xf32>
    %get3A_347 = arith.constant 0 : index
    %get3A_348 = arith.constant 0 : index
    %get3A_349 = vector.load %arg35[%get3A_347, %get3A_348] : memref<1x1024xf32, #tpu.memory_space<vmem>>, vector<1x1024xf32>
    %get3A_350 = arith.constant 0 : index
    %get3A_351 = arith.constant 0 : index
    %get3A_352 = vector.load %arg36[%get3A_350, %get3A_351] : memref<1024x256xf32, #tpu.memory_space<vmem>>, vector<1024x256xf32>
    %get3A_353 = arith.constant 0 : index
    %get3A_354 = arith.constant 0 : index
    %get3A_355 = vector.load %arg37[%get3A_353, %get3A_354] : memref<1x256xf32, #tpu.memory_space<vmem>>, vector<1x256xf32>
    %get3A_356 = arith.constant 0 : index
    %get3A_357 = arith.constant 0 : index
    %get3A_358 = vector.load %arg38[%get3A_356, %get3A_357] : memref<1x256xf32, #tpu.memory_space<vmem>>, vector<1x256xf32>
    %get3A_359 = arith.constant 0 : index
    %get3A_360 = arith.constant 0 : index
    %get3A_361 = vector.load %arg39[%get3A_359, %get3A_360] : memref<1x256xf32, #tpu.memory_space<vmem>>, vector<1x256xf32>
    %dot_general3A_362 = arith.constant dense<0.000000e+00> : vector<2048x128xf32>
    %dot_general3A_363 = tpu.matmul %sub3A_72, %get3A_313, %dot_general3A_362 {dimension_numbers = #tpu.dot_dimension_numbers<[1], [0], [0], [1], [0, 0, 1, 1], [], []>, transpose_lhs_hint = false} : vector<2048x2xf32>, vector<2x128xf32>, vector<2048x128xf32> -> vector<2048x128xf32>
    %mul3A_364 = arith.constant 5.000000e-01 : f32
    %mul3A_365 = vector.broadcast %mul3A_364 : f32 to vector<2048x128xf32>
    %mul3A_366 = arith.mulf %mul3A_365, %dot_general3A_363 : vector<2048x128xf32>
    %mul3A_367 = arith.mulf %mul3A_366, %mul3A_366 : vector<2048x128xf32>
    %div3A_368 = arith.constant 3.991680e+07 : f32
    %div3A_369 = vector.broadcast %div3A_368 : f32 to vector<2048x128xf32>
    %div3A_370 = arith.divf %mul3A_367, %div3A_369 : vector<2048x128xf32>
    %sub3A_371 = arith.constant 2.75573188E-6 : f32
    %sub3A_372 = vector.broadcast %sub3A_371 : f32 to vector<2048x128xf32>
    %sub3A_373 = arith.subf %sub3A_372, %div3A_370 : vector<2048x128xf32>
    %mul3A_374 = arith.mulf %mul3A_367, %sub3A_373 : vector<2048x128xf32>
    %add3A_375 = arith.constant -1.98412701E-4 : f32
    %add3A_376 = vector.broadcast %add3A_375 : f32 to vector<2048x128xf32>
    %add3A_377 = arith.addf %add3A_376, %mul3A_374 : vector<2048x128xf32>
    %mul3A_378 = arith.mulf %mul3A_367, %add3A_377 : vector<2048x128xf32>
    %add3A_379 = arith.constant 0.00833333377 : f32
    %add3A_380 = vector.broadcast %add3A_379 : f32 to vector<2048x128xf32>
    %add3A_381 = arith.addf %add3A_380, %mul3A_378 : vector<2048x128xf32>
    %mul3A_382 = arith.mulf %mul3A_367, %add3A_381 : vector<2048x128xf32>
    %add3A_383 = arith.constant -0.166666672 : f32
    %add3A_384 = vector.broadcast %add3A_383 : f32 to vector<2048x128xf32>
    %add3A_385 = arith.addf %add3A_384, %mul3A_382 : vector<2048x128xf32>
    %mul3A_386 = arith.mulf %mul3A_367, %add3A_385 : vector<2048x128xf32>
    %add3A_387 = arith.constant 1.000000e+00 : f32
    %add3A_388 = vector.broadcast %add3A_387 : f32 to vector<2048x128xf32>
    %add3A_389 = arith.addf %add3A_388, %mul3A_386 : vector<2048x128xf32>
    %mul3A_390 = arith.mulf %mul3A_366, %add3A_389 : vector<2048x128xf32>
    %div3A_391 = arith.constant 0x4DE467E0 : f32
    %div3A_392 = vector.broadcast %div3A_391 : f32 to vector<2048x128xf32>
    %div3A_393 = arith.divf %mul3A_367, %div3A_392 : vector<2048x128xf32>
    %add3A_394 = arith.constant -2.755732E-7 : f32
    %add3A_395 = vector.broadcast %add3A_394 : f32 to vector<2048x128xf32>
    %add3A_396 = arith.addf %add3A_395, %div3A_393 : vector<2048x128xf32>
    %mul3A_397 = arith.mulf %mul3A_367, %add3A_396 : vector<2048x128xf32>
    %add3A_398 = arith.constant 2.48015876E-5 : f32
    %add3A_399 = vector.broadcast %add3A_398 : f32 to vector<2048x128xf32>
    %add3A_400 = arith.addf %add3A_399, %mul3A_397 : vector<2048x128xf32>
    %mul3A_401 = arith.mulf %mul3A_367, %add3A_400 : vector<2048x128xf32>
    %add3A_402 = arith.constant -0.00138888892 : f32
    %add3A_403 = vector.broadcast %add3A_402 : f32 to vector<2048x128xf32>
    %add3A_404 = arith.addf %add3A_403, %mul3A_401 : vector<2048x128xf32>
    %mul3A_405 = arith.mulf %mul3A_367, %add3A_404 : vector<2048x128xf32>
    %add3A_406 = arith.constant 0.0416666679 : f32
    %add3A_407 = vector.broadcast %add3A_406 : f32 to vector<2048x128xf32>
    %add3A_408 = arith.addf %add3A_407, %mul3A_405 : vector<2048x128xf32>
    %mul3A_409 = arith.mulf %mul3A_367, %add3A_408 : vector<2048x128xf32>
    %add3A_410 = arith.constant -5.000000e-01 : f32
    %add3A_411 = vector.broadcast %add3A_410 : f32 to vector<2048x128xf32>
    %add3A_412 = arith.addf %add3A_411, %mul3A_409 : vector<2048x128xf32>
    %mul3A_413 = arith.mulf %mul3A_367, %add3A_412 : vector<2048x128xf32>
    %add3A_414 = arith.constant 1.000000e+00 : f32
    %add3A_415 = vector.broadcast %add3A_414 : f32 to vector<2048x128xf32>
    %add3A_416 = arith.addf %add3A_415, %mul3A_413 : vector<2048x128xf32>
    %mul3A_417 = arith.constant 2.000000e+00 : f32
    %mul3A_418 = vector.broadcast %mul3A_417 : f32 to vector<2048x128xf32>
    %mul3A_419 = arith.mulf %mul3A_418, %mul3A_390 : vector<2048x128xf32>
    %mul3A_420 = arith.mulf %mul3A_419, %add3A_416 : vector<2048x128xf32>
    %mul3A_421 = arith.constant 2.000000e+00 : f32
    %mul3A_422 = vector.broadcast %mul3A_421 : f32 to vector<2048x128xf32>
    %mul3A_423 = arith.mulf %mul3A_422, %mul3A_390 : vector<2048x128xf32>
    %mul3A_424 = arith.mulf %mul3A_423, %mul3A_390 : vector<2048x128xf32>
    %sub3A_425 = arith.constant 1.000000e+00 : f32
    %sub3A_426 = vector.broadcast %sub3A_425 : f32 to vector<2048x128xf32>
    %sub3A_427 = arith.subf %sub3A_426, %mul3A_424 : vector<2048x128xf32>
    %concatenate3A_428 = tpu.concatenate %mul3A_420, %sub3A_427 in 1 : vector<2048x128xf32>, vector<2048x128xf32> -> vector<2048x256xf32>
    %add3A_429 = arith.addf %slice3A, %concatenate3A_428 : vector<2048x256xf32>
    %dot_general3A_430 = arith.constant dense<0.000000e+00> : vector<128x256xf32>
    %dot_general3A_431 = tpu.matmul %add3A_310, %get3A_316, %dot_general3A_430 {dimension_numbers = #tpu.dot_dimension_numbers<[1], [0], [0], [1], [0, 0, 1, 1], [], []>, transpose_lhs_hint = false} : vector<128x256xf32>, vector<256x256xf32>, vector<128x256xf32> -> vector<128x256xf32>
    %add3A_432 = vector.broadcast %get3A_319 : vector<1x256xf32> to vector<128x256xf32>
    %add3A_433 = arith.addf %dot_general3A_431, %add3A_432 : vector<128x256xf32>
    %dot_general3A_434 = arith.constant dense<0.000000e+00> : vector<2048x256xf32>
    %dot_general3A_435 = tpu.matmul %add3A_429, %get3A_322, %dot_general3A_434 {dimension_numbers = #tpu.dot_dimension_numbers<[1], [0], [0], [1], [0, 0, 1, 1], [], []>, transpose_lhs_hint = false} : vector<2048x256xf32>, vector<256x256xf32>, vector<2048x256xf32> -> vector<2048x256xf32>
    %add3A_436 = vector.broadcast %get3A_325 : vector<1x256xf32> to vector<2048x256xf32>
    %add3A_437 = arith.addf %dot_general3A_435, %add3A_436 : vector<2048x256xf32>
    %dot_general3A_438 = arith.constant dense<0.000000e+00> : vector<2048x256xf32>
    %dot_general3A_439 = tpu.matmul %add3A_429, %get3A_328, %dot_general3A_438 {dimension_numbers = #tpu.dot_dimension_numbers<[1], [0], [0], [1], [0, 0, 1, 1], [], []>, transpose_lhs_hint = false} : vector<2048x256xf32>, vector<256x256xf32>, vector<2048x256xf32> -> vector<2048x256xf32>
    %add3A_440 = vector.broadcast %get3A_331 : vector<1x256xf32> to vector<2048x256xf32>
    %add3A_441 = arith.addf %dot_general3A_439, %add3A_440 : vector<2048x256xf32>
    %reshape3A_442 = vector.shape_cast %add3A_433 : vector<128x256xf32> to vector<128x1x256xf32>
    %broadcast_in_dim3A_443 = vector.shape_cast %reshape3A_442 : vector<128x1x256xf32> to vector<128x1x256xf32>
    %broadcast_in_dim3A_444 = vector.broadcast %broadcast_in_dim3A_443 : vector<128x1x256xf32> to vector<128x16x256xf32>
    %reshape3A_445 = vector.shape_cast %broadcast_in_dim3A_444 : vector<128x16x256xf32> to vector<2048x256xf32>
    %mul3A_446 = arith.mulf %reshape3A_445, %add3A_437 : vector<2048x256xf32>
    %dot_general3A_447 = arith.constant dense<0.000000e+00> : vector<2048x8xf32>
    %dot_general3A_448 = tpu.matmul %mul3A_446, %get3A_75, %dot_general3A_447 {dimension_numbers = #tpu.dot_dimension_numbers<[1], [0], [0], [1], [0, 0, 1, 1], [], []>, transpose_lhs_hint = false} : vector<2048x256xf32>, vector<256x8xf32>, vector<2048x8xf32> -> vector<2048x8xf32>
    %reshape3A_449 = vector.shape_cast %dot_general3A_448 : vector<2048x8xf32> to vector<128x16x8xf32>
    %reduce_max3A_450 = arith.constant dense<0xFF800000> : vector<128x8xf32>
    %reduce_max3A_451 = vector.multi_reduction <maximumf>, %reshape3A_449, %reduce_max3A_450 [1] : vector<128x16x8xf32> to vector<128x8xf32>
    %broadcast_in_dim3A_452 = vector.shape_cast %reduce_max3A_451 : vector<128x8xf32> to vector<128x1x8xf32>
    %sub3A_453 = vector.broadcast %broadcast_in_dim3A_452 : vector<128x1x8xf32> to vector<128x16x8xf32>
    %sub3A_454 = arith.subf %reshape3A_449, %sub3A_453 : vector<128x16x8xf32>
    %exp3A_455 = math.exp %sub3A_454 : vector<128x16x8xf32>
    %reduce_sum3A_456 = arith.constant dense<0.000000e+00> : vector<128x8xf32>
    %reduce_sum3A_457 = vector.multi_reduction <add>, %exp3A_455, %reduce_sum3A_456 [1] : vector<128x16x8xf32> to vector<128x8xf32>
    %broadcast_in_dim3A_458 = vector.shape_cast %reduce_sum3A_457 : vector<128x8xf32> to vector<128x1x8xf32>
    %div3A_459 = vector.broadcast %broadcast_in_dim3A_458 : vector<128x1x8xf32> to vector<128x16x8xf32>
    %div3A_460 = arith.divf %exp3A_455, %div3A_459 : vector<128x16x8xf32>
    %reshape3A_461 = vector.shape_cast %div3A_460 : vector<128x16x8xf32> to vector<2048x8xf32>
    %dot_general3A_462 = arith.constant dense<0.000000e+00> : vector<2048x256xf32>
    %dot_general3A_463 = tpu.matmul %reshape3A_461, %get3A_78, %dot_general3A_462 {dimension_numbers = #tpu.dot_dimension_numbers<[1], [0], [0], [1], [0, 0, 1, 1], [], []>, transpose_lhs_hint = false} : vector<2048x8xf32>, vector<8x256xf32>, vector<2048x256xf32> -> vector<2048x256xf32>
    %mul3A_464 = arith.mulf %dot_general3A_463, %add3A_441 : vector<2048x256xf32>
    %reshape3A_465 = vector.shape_cast %mul3A_464 : vector<2048x256xf32> to vector<128x16x256xf32>
    %reduce_sum3A_466 = arith.constant dense<0.000000e+00> : vector<128x256xf32>
    %reduce_sum3A_467 = vector.multi_reduction <add>, %reshape3A_465, %reduce_sum3A_466 [1] : vector<128x16x256xf32> to vector<128x256xf32>
    %dot_general3A_468 = arith.constant dense<0.000000e+00> : vector<128x256xf32>
    %dot_general3A_469 = tpu.matmul %reduce_sum3A_467, %get3A_334, %dot_general3A_468 {dimension_numbers = #tpu.dot_dimension_numbers<[1], [0], [0], [1], [0, 0, 1, 1], [], []>, transpose_lhs_hint = false} : vector<128x256xf32>, vector<256x256xf32>, vector<128x256xf32> -> vector<128x256xf32>
    %add3A_470 = vector.broadcast %get3A_337 : vector<1x256xf32> to vector<128x256xf32>
    %add3A_471 = arith.addf %dot_general3A_469, %add3A_470 : vector<128x256xf32>
    %add3A_472 = arith.addf %add3A_310, %add3A_471 : vector<128x256xf32>
    %reduce_sum3A_473 = arith.constant dense<0.000000e+00> : vector<128xf32>
    %reduce_sum3A_474 = vector.multi_reduction <add>, %add3A_472, %reduce_sum3A_473 [1] : vector<128x256xf32> to vector<128xf32>
    %broadcast_in_dim3A_475 = vector.shape_cast %reduce_sum3A_474 : vector<128xf32> to vector<128x1xf32>
    %div3A_476 = arith.constant 2.560000e+02 : f32
    %div3A_477 = vector.broadcast %div3A_476 : f32 to vector<128x1xf32>
    %div3A_478 = arith.divf %broadcast_in_dim3A_475, %div3A_477 : vector<128x1xf32>
    %sub3A_479 = vector.broadcast %div3A_478 : vector<128x1xf32> to vector<128x256xf32>
    %sub3A_480 = arith.subf %add3A_472, %sub3A_479 : vector<128x256xf32>
    %mul3A_481 = arith.mulf %sub3A_480, %sub3A_480 : vector<128x256xf32>
    %reduce_sum3A_482 = arith.constant dense<0.000000e+00> : vector<128xf32>
    %reduce_sum3A_483 = vector.multi_reduction <add>, %mul3A_481, %reduce_sum3A_482 [1] : vector<128x256xf32> to vector<128xf32>
    %broadcast_in_dim3A_484 = vector.shape_cast %reduce_sum3A_483 : vector<128xf32> to vector<128x1xf32>
    %div3A_485 = arith.constant 2.560000e+02 : f32
    %div3A_486 = vector.broadcast %div3A_485 : f32 to vector<128x1xf32>
    %div3A_487 = arith.divf %broadcast_in_dim3A_484, %div3A_486 : vector<128x1xf32>
    %add3A_488 = arith.constant 9.99999974E-6 : f32
    %add3A_489 = vector.broadcast %add3A_488 : f32 to vector<128x1xf32>
    %add3A_490 = arith.addf %div3A_487, %add3A_489 : vector<128x1xf32>
    %sqrt3A_491 = math.sqrt %add3A_490 : vector<128x1xf32>
    %div3A_492 = vector.broadcast %sqrt3A_491 : vector<128x1xf32> to vector<128x256xf32>
    %div3A_493 = arith.divf %sub3A_480, %div3A_492 : vector<128x256xf32>
    %mul3A_494 = vector.broadcast %get3A_340 : vector<1x256xf32> to vector<128x256xf32>
    %mul3A_495 = arith.mulf %div3A_493, %mul3A_494 : vector<128x256xf32>
    %add3A_496 = vector.broadcast %get3A_343 : vector<1x256xf32> to vector<128x256xf32>
    %add3A_497 = arith.addf %mul3A_495, %add3A_496 : vector<128x256xf32>
    %dot_general3A_498 = arith.constant dense<0.000000e+00> : vector<128x1024xf32>
    %dot_general3A_499 = tpu.matmul %add3A_497, %get3A_346, %dot_general3A_498 {dimension_numbers = #tpu.dot_dimension_numbers<[1], [0], [0], [1], [0, 0, 1, 1], [], []>, transpose_lhs_hint = false} : vector<128x256xf32>, vector<256x1024xf32>, vector<128x1024xf32> -> vector<128x1024xf32>
    %add3A_500 = vector.broadcast %get3A_349 : vector<1x1024xf32> to vector<128x1024xf32>
    %add3A_501 = arith.addf %dot_general3A_499, %add3A_500 : vector<128x1024xf32>
    %integer_pow3A_502 = arith.mulf %add3A_501, %add3A_501 : vector<128x1024xf32>
    %integer_pow3A_503 = arith.mulf %add3A_501, %integer_pow3A_502 : vector<128x1024xf32>
    %mul3A_504 = arith.constant 4.471500e-02 : f32
    %mul3A_505 = vector.broadcast %mul3A_504 : f32 to vector<128x1024xf32>
    %mul3A_506 = arith.mulf %mul3A_505, %integer_pow3A_503 : vector<128x1024xf32>
    %add3A_507 = arith.addf %add3A_501, %mul3A_506 : vector<128x1024xf32>
    %mul3A_508 = arith.constant 0.797884583 : f32
    %mul3A_509 = vector.broadcast %mul3A_508 : f32 to vector<128x1024xf32>
    %mul3A_510 = arith.mulf %mul3A_509, %add3A_507 : vector<128x1024xf32>
    %tanh3A_511 = math.tanh %mul3A_510 : vector<128x1024xf32>
    %add3A_512 = arith.constant 1.000000e+00 : f32
    %add3A_513 = vector.broadcast %add3A_512 : f32 to vector<128x1024xf32>
    %add3A_514 = arith.addf %add3A_513, %tanh3A_511 : vector<128x1024xf32>
    %mul3A_515 = arith.constant 5.000000e-01 : f32
    %mul3A_516 = vector.broadcast %mul3A_515 : f32 to vector<128x1024xf32>
    %mul3A_517 = arith.mulf %mul3A_516, %add3A_514 : vector<128x1024xf32>
    %mul3A_518 = arith.mulf %add3A_501, %mul3A_517 : vector<128x1024xf32>
    %dot_general3A_519 = arith.constant dense<0.000000e+00> : vector<128x256xf32>
    %dot_general3A_520 = tpu.matmul %mul3A_518, %get3A_352, %dot_general3A_519 {dimension_numbers = #tpu.dot_dimension_numbers<[1], [0], [0], [1], [0, 0, 1, 1], [], []>, transpose_lhs_hint = false} : vector<128x1024xf32>, vector<1024x256xf32>, vector<128x256xf32> -> vector<128x256xf32>
    %add3A_521 = vector.broadcast %get3A_355 : vector<1x256xf32> to vector<128x256xf32>
    %add3A_522 = arith.addf %dot_general3A_520, %add3A_521 : vector<128x256xf32>
    %add3A_523 = arith.addf %add3A_497, %add3A_522 : vector<128x256xf32>
    %reduce_sum3A_524 = arith.constant dense<0.000000e+00> : vector<128xf32>
    %reduce_sum3A_525 = vector.multi_reduction <add>, %add3A_523, %reduce_sum3A_524 [1] : vector<128x256xf32> to vector<128xf32>
    %broadcast_in_dim3A_526 = vector.shape_cast %reduce_sum3A_525 : vector<128xf32> to vector<128x1xf32>
    %div3A_527 = arith.constant 2.560000e+02 : f32
    %div3A_528 = vector.broadcast %div3A_527 : f32 to vector<128x1xf32>
    %div3A_529 = arith.divf %broadcast_in_dim3A_526, %div3A_528 : vector<128x1xf32>
    %sub3A_530 = vector.broadcast %div3A_529 : vector<128x1xf32> to vector<128x256xf32>
    %sub3A_531 = arith.subf %add3A_523, %sub3A_530 : vector<128x256xf32>
    %mul3A_532 = arith.mulf %sub3A_531, %sub3A_531 : vector<128x256xf32>
    %reduce_sum3A_533 = arith.constant dense<0.000000e+00> : vector<128xf32>
    %reduce_sum3A_534 = vector.multi_reduction <add>, %mul3A_532, %reduce_sum3A_533 [1] : vector<128x256xf32> to vector<128xf32>
    %broadcast_in_dim3A_535 = vector.shape_cast %reduce_sum3A_534 : vector<128xf32> to vector<128x1xf32>
    %div3A_536 = arith.constant 2.560000e+02 : f32
    %div3A_537 = vector.broadcast %div3A_536 : f32 to vector<128x1xf32>
    %div3A_538 = arith.divf %broadcast_in_dim3A_535, %div3A_537 : vector<128x1xf32>
    %add3A_539 = arith.constant 9.99999974E-6 : f32
    %add3A_540 = vector.broadcast %add3A_539 : f32 to vector<128x1xf32>
    %add3A_541 = arith.addf %div3A_538, %add3A_540 : vector<128x1xf32>
    %sqrt3A_542 = math.sqrt %add3A_541 : vector<128x1xf32>
    %div3A_543 = vector.broadcast %sqrt3A_542 : vector<128x1xf32> to vector<128x256xf32>
    %div3A_544 = arith.divf %sub3A_531, %div3A_543 : vector<128x256xf32>
    %mul3A_545 = vector.broadcast %get3A_358 : vector<1x256xf32> to vector<128x256xf32>
    %mul3A_546 = arith.mulf %div3A_544, %mul3A_545 : vector<128x256xf32>
    %add3A_547 = vector.broadcast %get3A_361 : vector<1x256xf32> to vector<128x256xf32>
    %add3A_548 = arith.addf %mul3A_546, %add3A_547 : vector<128x256xf32>
    %get3A_549 = arith.constant 0 : index
    %get3A_550 = arith.constant 0 : index
    %get3A_551 = vector.load %arg40[%get3A_549, %get3A_550] : memref<256x64xf32, #tpu.memory_space<vmem>>, vector<256x64xf32>
    %get3A_552 = arith.constant 0 : index
    %get3A_553 = arith.constant 0 : index
    %get3A_554 = vector.load %arg41[%get3A_552, %get3A_553] : memref<1x64xf32, #tpu.memory_space<vmem>>, vector<1x64xf32>
    %dot_general3A_555 = arith.constant dense<0.000000e+00> : vector<128x64xf32>
    %dot_general3A_556 = tpu.matmul %add3A_548, %get3A_551, %dot_general3A_555 {dimension_numbers = #tpu.dot_dimension_numbers<[1], [0], [0], [1], [0, 0, 1, 1], [], []>, transpose_lhs_hint = false} : vector<128x256xf32>, vector<256x64xf32>, vector<128x64xf32> -> vector<128x64xf32>
    %add3A_557 = vector.broadcast %get3A_554 : vector<1x64xf32> to vector<128x64xf32>
    %add3A_558 = arith.addf %dot_general3A_556, %add3A_557 : vector<128x64xf32>
    %swap3A = arith.constant 0 : index
    %swap3A_559 = arith.constant 0 : index
    %swap3A_560 = vector.load %arg42[%swap3A, %swap3A_559] : memref<128x64xf32, #tpu.memory_space<vmem>>, vector<128x64xf32>
    tpu.vector_store %arg42[%swap3A, %swap3A_559], %add3A_558 {strides = array<i32>} : memref<128x64xf32, #tpu.memory_space<vmem>>, vector<128x64xf32>,
    return
  }
  func.func @transform_0(%arg0: i32) -> (i32, i32) {
    %c0_i32 = arith.constant 0 : i32
    %c0_i32_0 = arith.constant 0 : i32
    return %arg0, %c0_i32 : i32, i32
  }
  func.func @transform_1(%arg0: i32) -> (i32, i32) {
    %c0_i32 = arith.constant 0 : i32
    %c0_i32_0 = arith.constant 0 : i32
    return %arg0, %c0_i32 : i32, i32
  }
  func.func @transform_2(%arg0: i32) -> (i32, i32) {
    %c0_i32 = arith.constant 0 : i32
    %c0_i32_0 = arith.constant 0 : i32
    %c0_i32_1 = arith.constant 0 : i32
    return %c0_i32, %c0_i32_0 : i32, i32
  }
  func.func @transform_3(%arg0: i32) -> (i32, i32) {
    %c0_i32 = arith.constant 0 : i32
    %c0_i32_0 = arith.constant 0 : i32
    %c0_i32_1 = arith.constant 0 : i32
    return %c0_i32, %c0_i32_0 : i32, i32
  }
  func.func @transform_4(%arg0: i32) -> (i32, i32) {
    %c0_i32 = arith.constant 0 : i32
    %c0_i32_0 = arith.constant 0 : i32
    %c0_i32_1 = arith.constant 0 : i32
    return %c0_i32, %c0_i32_0 : i32, i32
  }
  func.func @transform_5(%arg0: i32) -> (i32, i32) {
    %c0_i32 = arith.constant 0 : i32
    %c0_i32_0 = arith.constant 0 : i32
    %c0_i32_1 = arith.constant 0 : i32
    return %c0_i32, %c0_i32_0 : i32, i32
  }
  func.func @transform_6(%arg0: i32) -> (i32, i32) {
    %c0_i32 = arith.constant 0 : i32
    %c0_i32_0 = arith.constant 0 : i32
    %c0_i32_1 = arith.constant 0 : i32
    return %c0_i32, %c0_i32_0 : i32, i32
  }
  func.func @transform_7(%arg0: i32) -> (i32, i32) {
    %c0_i32 = arith.constant 0 : i32
    %c0_i32_0 = arith.constant 0 : i32
    %c0_i32_1 = arith.constant 0 : i32
    return %c0_i32, %c0_i32_0 : i32, i32
  }
  func.func @transform_8(%arg0: i32) -> (i32, i32) {
    %c0_i32 = arith.constant 0 : i32
    %c0_i32_0 = arith.constant 0 : i32
    %c0_i32_1 = arith.constant 0 : i32
    return %c0_i32, %c0_i32_0 : i32, i32
  }
  func.func @transform_9(%arg0: i32) -> (i32, i32) {
    %c0_i32 = arith.constant 0 : i32
    %c0_i32_0 = arith.constant 0 : i32
    %c0_i32_1 = arith.constant 0 : i32
    return %c0_i32, %c0_i32_0 : i32, i32
  }
  func.func @transform_10(%arg0: i32) -> (i32, i32) {
    %c0_i32 = arith.constant 0 : i32
    %c0_i32_0 = arith.constant 0 : i32
    %c0_i32_1 = arith.constant 0 : i32
    return %c0_i32, %c0_i32_0 : i32, i32
  }
  func.func @transform_11(%arg0: i32) -> (i32, i32) {
    %c0_i32 = arith.constant 0 : i32
    %c0_i32_0 = arith.constant 0 : i32
    %c0_i32_1 = arith.constant 0 : i32
    return %c0_i32, %c0_i32_0 : i32, i32
  }
  func.func @transform_12(%arg0: i32) -> (i32, i32) {
    %c0_i32 = arith.constant 0 : i32
    %c0_i32_0 = arith.constant 0 : i32
    %c0_i32_1 = arith.constant 0 : i32
    return %c0_i32, %c0_i32_0 : i32, i32
  }
  func.func @transform_13(%arg0: i32) -> (i32, i32) {
    %c0_i32 = arith.constant 0 : i32
    %c0_i32_0 = arith.constant 0 : i32
    %c0_i32_1 = arith.constant 0 : i32
    return %c0_i32, %c0_i32_0 : i32, i32
  }
  func.func @transform_14(%arg0: i32) -> (i32, i32) {
    %c0_i32 = arith.constant 0 : i32
    %c0_i32_0 = arith.constant 0 : i32
    %c0_i32_1 = arith.constant 0 : i32
    return %c0_i32, %c0_i32_0 : i32, i32
  }
  func.func @transform_15(%arg0: i32) -> (i32, i32) {
    %c0_i32 = arith.constant 0 : i32
    %c0_i32_0 = arith.constant 0 : i32
    %c0_i32_1 = arith.constant 0 : i32
    return %c0_i32, %c0_i32_0 : i32, i32
  }
  func.func @transform_16(%arg0: i32) -> (i32, i32) {
    %c0_i32 = arith.constant 0 : i32
    %c0_i32_0 = arith.constant 0 : i32
    %c0_i32_1 = arith.constant 0 : i32
    return %c0_i32, %c0_i32_0 : i32, i32
  }
  func.func @transform_17(%arg0: i32) -> (i32, i32) {
    %c0_i32 = arith.constant 0 : i32
    %c0_i32_0 = arith.constant 0 : i32
    %c0_i32_1 = arith.constant 0 : i32
    return %c0_i32, %c0_i32_0 : i32, i32
  }
  func.func @transform_18(%arg0: i32) -> (i32, i32) {
    %c0_i32 = arith.constant 0 : i32
    %c0_i32_0 = arith.constant 0 : i32
    %c0_i32_1 = arith.constant 0 : i32
    return %c0_i32, %c0_i32_0 : i32, i32
  }
  func.func @transform_19(%arg0: i32) -> (i32, i32) {
    %c0_i32 = arith.constant 0 : i32
    %c0_i32_0 = arith.constant 0 : i32
    %c0_i32_1 = arith.constant 0 : i32
    return %c0_i32, %c0_i32_0 : i32, i32
  }
  func.func @transform_20(%arg0: i32) -> (i32, i32) {
    %c0_i32 = arith.constant 0 : i32
    %c0_i32_0 = arith.constant 0 : i32
    %c0_i32_1 = arith.constant 0 : i32
    return %c0_i32, %c0_i32_0 : i32, i32
  }
  func.func @transform_21(%arg0: i32) -> (i32, i32) {
    %c0_i32 = arith.constant 0 : i32
    %c0_i32_0 = arith.constant 0 : i32
    %c0_i32_1 = arith.constant 0 : i32
    return %c0_i32, %c0_i32_0 : i32, i32
  }
  func.func @transform_22(%arg0: i32) -> (i32, i32) {
    %c0_i32 = arith.constant 0 : i32
    %c0_i32_0 = arith.constant 0 : i32
    %c0_i32_1 = arith.constant 0 : i32
    return %c0_i32, %c0_i32_0 : i32, i32
  }
  func.func @transform_23(%arg0: i32) -> (i32, i32) {
    %c0_i32 = arith.constant 0 : i32
    %c0_i32_0 = arith.constant 0 : i32
    %c0_i32_1 = arith.constant 0 : i32
    return %c0_i32, %c0_i32_0 : i32, i32
  }
  func.func @transform_24(%arg0: i32) -> (i32, i32) {
    %c0_i32 = arith.constant 0 : i32
    %c0_i32_0 = arith.constant 0 : i32
    %c0_i32_1 = arith.constant 0 : i32
    return %c0_i32, %c0_i32_0 : i32, i32
  }
  func.func @transform_25(%arg0: i32) -> (i32, i32) {
    %c0_i32 = arith.constant 0 : i32
    %c0_i32_0 = arith.constant 0 : i32
    %c0_i32_1 = arith.constant 0 : i32
    return %c0_i32, %c0_i32_0 : i32, i32
  }
  func.func @transform_26(%arg0: i32) -> (i32, i32) {
    %c0_i32 = arith.constant 0 : i32
    %c0_i32_0 = arith.constant 0 : i32
    %c0_i32_1 = arith.constant 0 : i32
    return %c0_i32, %c0_i32_0 : i32, i32
  }
  func.func @transform_27(%arg0: i32) -> (i32, i32) {
    %c0_i32 = arith.constant 0 : i32
    %c0_i32_0 = arith.constant 0 : i32
    %c0_i32_1 = arith.constant 0 : i32
    return %c0_i32, %c0_i32_0 : i32, i32
  }
  func.func @transform_28(%arg0: i32) -> (i32, i32) {
    %c0_i32 = arith.constant 0 : i32
    %c0_i32_0 = arith.constant 0 : i32
    %c0_i32_1 = arith.constant 0 : i32
    return %c0_i32, %c0_i32_0 : i32, i32
  }
  func.func @transform_29(%arg0: i32) -> (i32, i32) {
    %c0_i32 = arith.constant 0 : i32
    %c0_i32_0 = arith.constant 0 : i32
    %c0_i32_1 = arith.constant 0 : i32
    return %c0_i32, %c0_i32_0 : i32, i32
  }
  func.func @transform_30(%arg0: i32) -> (i32, i32) {
    %c0_i32 = arith.constant 0 : i32
    %c0_i32_0 = arith.constant 0 : i32
    %c0_i32_1 = arith.constant 0 : i32
    return %c0_i32, %c0_i32_0 : i32, i32
  }
  func.func @transform_31(%arg0: i32) -> (i32, i32) {
    %c0_i32 = arith.constant 0 : i32
    %c0_i32_0 = arith.constant 0 : i32
    %c0_i32_1 = arith.constant 0 : i32
    return %c0_i32, %c0_i32_0 : i32, i32
  }
  func.func @transform_32(%arg0: i32) -> (i32, i32) {
    %c0_i32 = arith.constant 0 : i32
    %c0_i32_0 = arith.constant 0 : i32
    %c0_i32_1 = arith.constant 0 : i32
    return %c0_i32, %c0_i32_0 : i32, i32
  }
  func.func @transform_33(%arg0: i32) -> (i32, i32) {
    %c0_i32 = arith.constant 0 : i32
    %c0_i32_0 = arith.constant 0 : i32
    %c0_i32_1 = arith.constant 0 : i32
    return %c0_i32, %c0_i32_0 : i32, i32
  }
  func.func @transform_34(%arg0: i32) -> (i32, i32) {
    %c0_i32 = arith.constant 0 : i32
    %c0_i32_0 = arith.constant 0 : i32
    %c0_i32_1 = arith.constant 0 : i32
    return %c0_i32, %c0_i32_0 : i32, i32
  }
  func.func @transform_35(%arg0: i32) -> (i32, i32) {
    %c0_i32 = arith.constant 0 : i32
    %c0_i32_0 = arith.constant 0 : i32
    %c0_i32_1 = arith.constant 0 : i32
    return %c0_i32, %c0_i32_0 : i32, i32
  }
  func.func @transform_36(%arg0: i32) -> (i32, i32) {
    %c0_i32 = arith.constant 0 : i32
    %c0_i32_0 = arith.constant 0 : i32
    %c0_i32_1 = arith.constant 0 : i32
    return %c0_i32, %c0_i32_0 : i32, i32
  }
  func.func @transform_37(%arg0: i32) -> (i32, i32) {
    %c0_i32 = arith.constant 0 : i32
    %c0_i32_0 = arith.constant 0 : i32
    %c0_i32_1 = arith.constant 0 : i32
    return %c0_i32, %c0_i32_0 : i32, i32
  }
  func.func @transform_38(%arg0: i32) -> (i32, i32) {
    %c0_i32 = arith.constant 0 : i32
    %c0_i32_0 = arith.constant 0 : i32
    %c0_i32_1 = arith.constant 0 : i32
    return %c0_i32, %c0_i32_0 : i32, i32
  }
  func.func @transform_39(%arg0: i32) -> (i32, i32) {
    %c0_i32 = arith.constant 0 : i32
    %c0_i32_0 = arith.constant 0 : i32
    %c0_i32_1 = arith.constant 0 : i32
    return %c0_i32, %c0_i32_0 : i32, i32
  }
  func.func @transform_40(%arg0: i32) -> (i32, i32) {
    %c0_i32 = arith.constant 0 : i32
    %c0_i32_0 = arith.constant 0 : i32
    %c0_i32_1 = arith.constant 0 : i32
    return %c0_i32, %c0_i32_0 : i32, i32
  }
  func.func @transform_41(%arg0: i32) -> (i32, i32) {
    %c0_i32 = arith.constant 0 : i32
    %c0_i32_0 = arith.constant 0 : i32
    return %arg0, %c0_i32 : i32, i32
  }
}

</mosaic_0001>

<sc_bundles>
// kernel: kernel.5.cloned.1.call-start
scs
__scs_entry_jumppad:
0x0: {  	(pc) =	sbr.rel $0x88, $3  }
0x1: {  	(tag) =	ssettag $0x0;
	lr =	simm.s32 $0x1  }
0x2: {  	[smem:$0x3F79] =	sst lr;
	_ =	strace $0xD0000000  }
0x3: {  	_ = 	snop  }
0x4: {  	_ = 	snop  }
0x5: {  	_ = 	snop  }
0x6: {  	_ = 	snop  }
0x7: {  	_ = 	snop  }
__scs_overlays_trampoline_lowered:
0x8: {  	[smem:$0x3F88] =	sst s0  }
0x9: {  	[smem:$0x3F89] =	sst s1  }
0xa: {  	[smem:$0x3F8A] =	sst s2  }
0xb: {  	[smem:$0x3F8B] =	sst s3  }
0xc: {  	[smem:$0x3F8C] =	sst s4  }
0xd: {  	[smem:$0x3F8D] =	sst s5  }
0xe: {  	[smem:$0x3F8E] =	sst s6  }
0xf: {  	[smem:$0x3F8F] =	sst s7  }
0x10: {  	[smem:$0x3F90] =	sst s8  }
0x11: {  	[smem:$0x3F91] =	sst s9;
	s0 =	simm.s32 @!p0 $0x0  }
0x12: {  	s1 =	sld [smem:$0x3F77];
	s0 =	simm.s32 @p0 $0x1  }
0x13: {  	[smem:$0x3F92] =	sst s0;
	s0 =	simm.s32 @!p1 $0x0  }
0x14: {  	s2 =	sld [smem:$0x3F76];
	s0 =	simm.s32 @p1 $0x1  }
0x15: {  	[smem:$0x3F93] =	sst s0;
	s0 =	simm.s32 @!p2 $0x0  }
0x16: {  	s3 =	sld [smem:$0x3FDB];
	s0 =	simm.s32 @p2 $0x1  }
0x17: {  	s4 =	simm.s32 $0x1BF5;
	[smem:$0x3F95] =	sst s0  }
0x18: {  	s0 =	sld [smem:$0x3F78];
	_ =	swait.ge [sflag:s4], $0x0  }
0x19: {  	s7 =	sld [smem:$0x3F79]  }
0x1a: {  	s8 =	sadd.s32 $0xFFFFE003, lr  }
0x1b: {  	s9 =	sadd.s32 $0xFFFFFEF7, lr;
	s5 =	simm.s32 $0xFFFFFFFF;
	p2 =	slt.u32 s8, $0xFFFFF086  }
0x1c: {  	p1 =	slt.u32 s9, $0xF7A;
	s5 =	simm.s32 @!p2 $0x0  }
0x1d: {  	s5 =	simm.s32 @p1 $0x1;
	p0 =	seq.s32 s7, s2  }
0x1e: {  	s7 =	smul.u32 @!p0 $0xF7A, s2;
	p2 =	seq.s32 @!p0 s5, $0x0  }
0x1f: {  	s9 =	smul.u32 $0xF7A, s1;
	s8 =	simm.s32 @!p0 $0x1BF5;
	p2 =	por !p2, p0  }
0x20: {  	[sflag:s8] =	ssyncset.s32 @!p0 $0xFFFFF086;
	s6 =	sadd.s32 @!p0 s3, s7;
	s7 =	simm.s32 @!p0 $0x108  }
0x21: {  	s3 =	sadd.s32 s3, s9;
	s6 =	sadd.s32 @!p0 $0x88, s6;
	s7 =	simm.s32 @p2 $0x1082  }
0x22: {  	[simem:s7], [sflag:s8] =	dma.local @!p0 [hbm:s6], $0xF7A  }
0x23: {  	s9 =	sor.u32 $0xD0000000, s2;
	s6 =	simm.s32 $0x108;
	_ =	swait.ge @!p0 [sflag:s8], $0x0  }
0x24: {  	s3 =	sadd.s32 $0x88, s3;
	s6 =	simm.s32 @!p1 $0x1082;
	[sflag:s4] =	ssyncset.s32 $0xFFFFF086  }
0x25: {  	[simem:s6], [sflag:s4] =	dma.local [hbm:s3], $0xF7A  }
0x26: {  	[smem:$0x3F79] =	sst s1;
	(tag) =	ssettag s2;
	_ =	strace s9  }
0x27: {  	s1 =	sld [smem:$0x3F89]  }
0x28: {  	s2 =	sld [smem:$0x3F8A]  }
0x29: {  	s4 =	sld [smem:$0x3F8C]  }
0x2a: {  	p0 =	seq.s32 s5, $0x0;
	s5 =	sld [smem:$0x3F8D]  }
0x2b: {  	s6 =	sld [smem:$0x3F8E]  }
0x2c: {  	s7 =	sld [smem:$0x3F8F]  }
0x2d: {  	s3 =	simm.s32 $0x108;
	s8 =	sld [smem:$0x3F90]  }
0x2e: {  	s3 =	simm.s32 @!p0 $0x1082;
	s9 =	sld [smem:$0x3F91]  }
0x2f: {  	lr =	sadd.s32 s0, s3;
	s0 =	sld [smem:$0x3F88]  }
0x30: {  	s3 =	sld [smem:$0x3F8B]  }
0x31: {  	[smem:$0x3F94] =	sst s10  }
0x32: {  	s10 =	sld [smem:$0x3F92];
	_ =	sdelay $0x3  }
0x33: {  	p0 =	seq.s32 s10, $0x1;
	s10 =	sld [smem:$0x3F94];
	_ =	sdelay $0x3  }
0x34: {  	[smem:$0x3F94] =	sst s10  }
0x35: {  	s10 =	sld [smem:$0x3F93];
	_ =	sdelay $0x3  }
0x36: {  	p1 =	seq.s32 s10, $0x1;
	s10 =	sld [smem:$0x3F94];
	_ =	sdelay $0x3  }
0x37: {  	[smem:$0x3F94] =	sst s10  }
0x38: {  	s10 =	sld [smem:$0x3F95]  }
0x39: {  	_ = 	snop;
	(pc) =	sbr.ind lr, $3  }
0x3a: {  	_ = 	snop  }
0x3b: {  	_ = 	snop  }
0x3c: {  	p2 =	seq.s32 s10, $0x1;
	s10 =	sld [smem:$0x3F94]  }
0x3d: {  	_ =	shalt  }
0x3e: {  	_ =	shalt  }
0x3f: {  	_ =	shalt  }
0x40: {  	_ =	shalt  }
0x41: {  	_ =	shalt  }
0x42: {  	_ =	shalt  }
0x43: {  	_ =	shalt  }
0x44: {  	_ =	shalt  }
0x45: {  	_ =	shalt  }
0x46: {  	_ =	shalt  }
0x47: {  	_ =	shalt  }
0x48: {  	_ =	shalt  }
0x49: {  	_ =	shalt  }
0x4a: {  	_ =	shalt  }
0x4b: {  	_ =	shalt  }
0x4c: {  	_ =	shalt  }
0x4d: {  	_ =	shalt  }
0x4e: {  	_ =	shalt  }
0x4f: {  	_ =	shalt  }
0x50: {  	_ =	shalt  }
0x51: {  	_ =	shalt  }
0x52: {  	_ =	shalt  }
0x53: {  	_ =	shalt  }
0x54: {  	_ =	shalt  }
0x55: {  	_ =	shalt  }
0x56: {  	_ =	shalt  }
0x57: {  	_ =	shalt  }
0x58: {  	_ =	shalt  }
0x59: {  	_ =	shalt  }
0x5a: {  	_ =	shalt  }
0x5b: {  	_ =	shalt  }
0x5c: {  	_ =	shalt  }
0x5d: {  	_ =	shalt  }
0x5e: {  	_ =	shalt  }
0x5f: {  	_ =	shalt  }
0x60: {  	_ =	shalt  }
0x61: {  	_ =	shalt  }
0x62: {  	_ =	shalt  }
0x63: {  	_ =	shalt  }
0x64: {  	_ =	shalt  }
0x65: {  	_ =	shalt  }
0x66: {  	_ =	shalt  }
0x67: {  	_ =	shalt  }
0x68: {  	_ =	shalt  }
0x69: {  	_ =	shalt  }
0x6a: {  	_ =	shalt  }
0x6b: {  	_ =	shalt  }
0x6c: {  	_ =	shalt  }
0x6d: {  	_ =	shalt  }
0x6e: {  	_ =	shalt  }
0x6f: {  	_ =	shalt  }
0x70: {  	_ =	shalt  }
0x71: {  	_ =	shalt  }
0x72: {  	_ =	shalt  }
0x73: {  	_ =	shalt  }
0x74: {  	_ =	shalt  }
0x75: {  	_ =	shalt  }
0x76: {  	_ =	shalt  }
0x77: {  	_ =	shalt  }
0x78: {  	_ =	shalt  }
0x79: {  	_ =	shalt  }
0x7a: {  	_ =	shalt  }
0x7b: {  	_ =	shalt  }
0x7c: {  	_ =	shalt  }
0x7d: {  	_ =	shalt  }
0x7e: {  	_ =	shalt  }
0x7f: {  	_ =	shalt  }
0x80: {  	_ =	shalt  }
0x81: {  	_ =	shalt  }
0x82: {  	_ =	shalt  }
0x83: {  	_ =	shalt  }
0x84: {  	_ =	shalt  }
0x85: {  	_ =	shalt  }
0x86: {  	_ =	shalt  }
0x87: {  	_ =	shalt  }
.Lfunc_end0:
.L_simem_size_0:
called_computation_lowered:
.L_overlay_start_0:
0x88: {  	s2 =	sld [smem:$0x3FD9]  }
0x89: {  	s3 =	sld [smem:$0x3FFE];
	_ =	sdelay $0x1  }
0x8a: {  	s1 =	srdreg.scid  }
0x8b: {  	s0 =	sand.u32 $0x1, s1  }
0x8c: {  	s17 =	sshll.u32 s0, $0xA;
	s2 =	sadd.s32 s3, s2  }
0x8d: {  	s2 =	sadd.s32 s2, s17  }
0x8e: {  	[smem:$0x3FA0] =	sst s2  }
0x8f: {  	_ = 	snop  }
0x90: {  	s2 =	sld [smem:$0x3FD0];
	(tm) =	ssettm $0x1  }
0x91: {  	s18 =	sld [smem:$0x3FFB];
	_ =	sdelay $0x3  }
0x92: {  	_ =	strace s18  }
0x93: {  	s3 =	sld [smem:$0x3FFC];
	_ =	sdelay $0x3  }
0x94: {  	_ =	strace s3  }
0x95: {  	s3 =	sld [smem:$0x3FFD];
	_ =	sdelay $0x3  }
0x96: {  	_ =	strace s3  }
0x97: {  	_ =	strace $0x8FFFFFFF  }
0x98: {  	s19 =	sld [smem:$0x3FDB];
	_ =	sdelay $0x1  }
0x99: {  	s4 =	simm.s32 $_scs_section_size  }
0x9a: {  	s5 =	simm.s32 $_size__tile_overlayer_lowered;
	s6 =	simm.s32 $_tile_overlayer_lowered  }
0x9b: {  	s22 =	simm.s32 $0x1BFF;
	s21 =	sshll.u32 s6, $0x1;
	s3 =	sadd.s32 s4, s19  }
0x9c: {  	s7 =	simm.s32 $0x0;
	s20 =	sshll.u32 s5, $0x1;
	s5 =	sadd.s32 s21, s3  }
0x9d: {  	[timem:s7], [sflag:s22] =	dma.local [hbm:s5], s20  }
0x9e: {  	_ =	swait.ge [sflag:s22], s20  }
0x9f: {  	s4 =	ssub.s32 $0x0, s20;
	[sflag:s22] =	ssyncset.done $0x0  }
0xa0: {  	[sflag:s22] =	ssyncadd.s32 s4;
	_ =	sdelay $0x1  }
0xa1: {  	s23 =	simm.s32 $0x1B8B  }
0xa2: {  	_ =	swait.ge [sflag:s23], $0x1  }
0xa3: {  	[sflag:s23] =	ssyncset.done $0x0  }
0xa4: {  	s25 =	simm.s32 $0x1B8E;
	s24 =	sld [smem:$0x3FFE];
	[sflag:s23] =	ssyncadd.s32 $0xFFFFFFFF  }
0xa5: {  	s26 =	simm.s32 $execute0_lowered;
	[smem:$0x3FD2] =	sst s25  }
0xa6: {  	s5 =	sshll.u32 s26, $0x1;
	_ =	strace $0x80000046;
	[dreg:$0x1] =	wrdreg $0xFFFFFFFF  }
0xa7: {  	s28 =	simm.s32 $_size_execute0_lowered;
	s3 =	sadd.s32 s3, s5;
	[dreg:$0x0] =	wrdreg $0x0  }
0xa8: {  	s5 =	sshll.u32 s28, $0x1;
	[dreg:$0x2] =	wrdreg s3  }
0xa9: {  	[dreg:$0x3] =	wrdreg s5  }
0xaa: {  	[dreg:$0x4] =	wrdreg $0xC0  }
0xab: {  	_ =	task [dreg:s7], $0x5FFFF  }
0xac: {  	[dreg:$0x1] =	wrdreg $0xFFFFFFFF  }
0xad: {  	[dreg:$0x0] =	wrdreg $0x60  }
0xae: {  	[dreg:$0x2] =	wrdreg s24  }
0xaf: {  	[dreg:$0x3] =	wrdreg s2  }
0xb0: {  	[dreg:$0x4] =	wrdreg $0x9  }
0xb1: {  	_ =	task.clear_ibuf [dreg:s7], $0x5FFFF;
	_ =	strace $0x90000046  }
0xb2: {  	s29 =	simm.s32 $0x9;
	_ =	strace $0x80000048  }
0xb3: {  	_ =	swait.ge [sflag:s29], $0x1  }
0xb4: {  	[sflag:s29] =	ssyncadd.s32 $0xFFFFFFFF  }
0xb5: {  	_ =	strace $0x90000048  }
0xb6: {  	_ =	sfence  }
0xb7: {  	s30 =	sld [smem:$0x0];
	_ =	sdelay $0x2  }
0xb8: {  	s31 =	sshll.u32 s1, $0xD;
	s1 =	sshrl.u32 s1, $0x2  }
0xb9: {  	s3 =	sand.u32 $0x4000, s31;
	s1 =	sadd.s32 s1, s30  }
0xba: {  	s0 =	sor.u32 s3, s0;
	s1 =	sshll.u32 s1, $0x11  }
0xbb: {  	s0 =	sor.u32 s1, s0  }
0xbc: {  	s0 =	sadd.s32 $0x8F2B, s0  }
0xbd: {  	[sflag:s0] =	ssyncadd.remote.s32 $0x1  }
0xbe: {  	_ =	sfence.sel $0xFFFF  }
0xbf: {  	[dreg:$0x0] =	wrdreg $0xFFFFFFFF;
	(pc) =	sbr.abs _section_cstart, $3  }
0xc0: {  	[dreg:$0x1] =	wrdreg $0xFFFFFFFF  }
0xc1: {  	_ =	task.clear_ibuf [dreg:s7], $0x2FFFF;
	_ =	strace $0x9FFFFFFF  }
0xc2: {  	(tm) =	ssettm $0x7FFFFFFF  }
0xc3: {  	_ =	shalt  }
tec
execute0_lowered:
.L_overlay_start_1:
0x0: {  	(tag) =	ssettag $0x1  }
0x1: {  	s0 =	srdreg.scid;
	s1 =	rddreg [dreg:$0x0]  }
0x2: {  	s2 =	stileid.u32;
	s4 =	rddreg [dreg:$0x1];
	s10 =	simm.s32 $0x3  }
0x3: {  	s11 =	simm.s32 $0x100;
	s20 =	simm.s32 $0xC100;
	s12 =	simm.s32 $0x12100  }
0x4: {  	s13 =	simm.s32 $0x12900;
	s14 =	simm.s32 $0x12D00;
	s15 =	simm.s32 $0x13500  }
0x5: {  	s16 =	simm.s32 $0x13900;
	s17 =	simm.s32 $0x14100;
	s18 =	simm.s32 $0x14500  }
0x6: {  	s19 =	simm.s32 $0x15100;
	s21 =	simm.s32 $0x15900;
	s22 =	simm.s32 $0x15D00  }
0x7: {  	s23 =	simm.s32 $0x16500;
	s28 =	simm.s32 $0x17D00;
	s0 =	sand.u32 $0x1, s0  }
0x8: {  	s29 =	simm.s32 $0x1;
	s2 =	sshll.u32 s2, $0xD;
	s3 =	sshll.u32 s0, $0xC  }
0x9: {  	s30 =	simm.s32 $0x2;
	s0 =	ssub.s32 $0x2, s0;
	s5 =	sor.u32 s3, s2  }
0xa: {  	s2 =	simm.s32 $0x0;
	s3 =	sadd.s32 $0x25800, s1;
	s8 =	sshrl.u32 s0, $0x1  }
0xb: {  	s6 =	sshrl.u32 s5, $0x3;
	[smem:$0x7FF] =	sst s2;
	s0 =	ssub.s32 s0, s8  }
0xc: {  	s25 =	sor.u32 $0x100, s5;
	s5 =	sadd.s32 $0x25900, s1;
	s8 =	simm.s32 $0x11500  }
0xd: {  	s7 =	smul.u32 $0x180, s6;
	_ =	strace $0x80000047;
	s24 =	sadd.s32 s6, s4  }
0xe: {  	s0 =	smax.u32 s0, $0x1;
	s26 =	sshrl.u32 s25, $0x3;
	s25 =	simm.s32 $0x17100  }
.Ltmp0:
0xf: {  	s6 =	simm.s32 $0x80;
	[dreg:$0x4] =	wrdreg s0;
	(pc) =	sbr.rel .LBB2_1-.Ltmp0, $4  }
0x10: {  	s0 =	sadd.s32 s26, s4;
	[dreg:$0x3] =	wrdreg s24;
	s9 =	sadd.s32 $0x10, s24  }
0x11: {  	v2 =	vlaneseq.u32;
	s4 =	simm.s32 $0x11D00;
	s24 =	simm.s32 $0x16900;
	s7 =	sadd.s32 s7, s1  }
0x12: {  	vm0 =	vmmov $0xffff;
	vm1 =	vmmov $0xff;
	v1 =	vshrl.u32 v2, $0x3;
	s26 =	simm.s32 $0x17500;
	[dreg:$0x5] =	wrdreg s0;
	s31 =	sadd.s32 $0x55800, s7  }
0x13: {  	v0 =	vand.u32 $0x7, v2;
	v2 =	vor.u32 $0x8, v2;
	v1 =	vmul.u32 $0x8, v1;
	s1 =	simm.s32 $0x0;
	s7 =	simm.s32 $0x14D00;
	[dreg:$0x6] =	wrdreg s31  }
.LBB2_5:
0x14: {  	s1 =	rddreg [dreg:$0x7]  }
0x15: {  	s0 =	rddreg [dreg:$0x4];
	s1 =	sadd.s32 $0x1, s1  }
0x16: {  	p0 =	sne.s32 s1, s0  }
.Ltmp1:
0x17: {  	_ = 	snop;
	(pc) =	sbr.rel @!p0 .LBB2_6-.Ltmp1, $1  }
0x18: {  	_ =	sdelay $0x3  }
.LBB2_1:
0x19: {  	[dreg:$0x7] =	wrdreg s1  }
0x1a: {  	s0 =	rddreg [dreg:$0x3]  }
0x1b: {  	[tilespmem:s2], [sflag:$0x3] =	stream.linear.gather [hbm4b:s0+s2], $0x80, $0x38;
	[tilespmem:$0x18100] =	vst v63  }
0x1c: {  	_ =	swait.ge [sflag:s10], $0x80  }
0x1d: {  	[sflag:s10] =	ssyncset.done $0x0  }
0x1e: {  	[sflag:s10] =	ssyncadd.s32 $0xFFFFFF80  }
0x1f: {  	v3 =	vld [tilespmem:$0x0];
	_ =	sdelay $0x4  }
0x20: {  	v4 =	vshrl.u32 v3, $0x3  }
0x21: {  	v4 =	vmul.u32 $0x18, v4  }
0x22: {  	v3 =	vand.u32 $0x7, v3  }
0x23: {  	v3 =	vor.u32 v3, v4  }
0x24: {  	v4 =	vperm.xlane v3, v0;
	_ =	sdelay $0x1  }
0x25: {  	v4 =	vadd.s32 v1, v4;
	_ =	sdelay $0x1  }
0x26: {  	v3 =	vperm.xlane v3, v2;
	_ =	sdelay $0x1  }
0x27: {  	v3 =	vadd.s32 v1, v3  }
0x28: {  	[tilespmem:s11], [sflag:$0x1] =	stream.indirect_vreg.gather [hbm4b:s3+s2], $0x80, v4, vm0, $0xb8;
	[tilespmem:$0x18100] =	vst v63  }
0x29: {  	s1 =	simm.s32 $0x900  }
0x2a: {  	[tilespmem:s1], [sflag:$0x1] =	stream.indirect_vreg.gather [hbm4b:s5+s2], $0x80, v4, vm1, $0xb8;
	[tilespmem:$0x18100] =	vst v63  }
0x2b: {  	s1 =	simm.s32 $0xD00  }
0x2c: {  	[tilespmem:s1], [sflag:$0x1] =	stream.indirect_vreg.gather [hbm4b:s3+s2], $0x80, v3, vm0, $0xb8;
	[tilespmem:$0x18100] =	vst v63  }
0x2d: {  	s1 =	simm.s32 $0x1500  }
0x2e: {  	[tilespmem:s1], [sflag:$0x1] =	stream.indirect_vreg.gather [hbm4b:s5+s2], $0x80, v3, vm1, $0xb8;
	[tilespmem:$0x18100] =	vst v63  }
0x2f: {  	v3 =	vld [tilespmem:$0x10];
	_ =	sdelay $0x4  }
0x30: {  	v57 =	vshrl.u32 v3, $0x3  }
0x31: {  	v4 =	vmul.u32 $0x18, v57  }
0x32: {  	v3 =	vand.u32 $0x7, v3  }
0x33: {  	v3 =	vor.u32 v3, v4  }
0x34: {  	v4 =	vperm.xlane v3, v0;
	_ =	sdelay $0x1  }
0x35: {  	v4 =	vadd.s32 v1, v4;
	_ =	sdelay $0x1  }
0x36: {  	v3 =	vperm.xlane v3, v2;
	_ =	sdelay $0x1  }
0x37: {  	s1 =	simm.s32 $0x1900;
	v3 =	vadd.s32 v1, v3  }
0x38: {  	[tilespmem:s1], [sflag:$0x1] =	stream.indirect_vreg.gather [hbm4b:s3+s2], $0x80, v4, vm0, $0xb8;
	[tilespmem:$0x18100] =	vst v63  }
0x39: {  	s1 =	simm.s32 $0x2100  }
0x3a: {  	[tilespmem:s1], [sflag:$0x1] =	stream.indirect_vreg.gather [hbm4b:s5+s2], $0x80, v4, vm1, $0xb8;
	[tilespmem:$0x18100] =	vst v63  }
0x3b: {  	s1 =	simm.s32 $0x2500  }
0x3c: {  	[tilespmem:s1], [sflag:$0x1] =	stream.indirect_vreg.gather [hbm4b:s3+s2], $0x80, v3, vm0, $0xb8;
	[tilespmem:$0x18100] =	vst v63  }
0x3d: {  	s1 =	simm.s32 $0x2D00  }
0x3e: {  	[tilespmem:s1], [sflag:$0x1] =	stream.indirect_vreg.gather [hbm4b:s5+s2], $0x80, v3, vm1, $0xb8;
	[tilespmem:$0x18100] =	vst v63  }
0x3f: {  	v3 =	vld [tilespmem:$0x20];
	_ =	sdelay $0x4  }
0x40: {  	v58 =	vshrl.u32 v3, $0x3  }
0x41: {  	v4 =	vmul.u32 $0x18, v58  }
0x42: {  	v3 =	vand.u32 $0x7, v3  }
0x43: {  	v3 =	vor.u32 v3, v4  }
0x44: {  	v4 =	vperm.xlane v3, v0;
	_ =	sdelay $0x1  }
0x45: {  	v4 =	vadd.s32 v1, v4;
	_ =	sdelay $0x1  }
0x46: {  	v3 =	vperm.xlane v3, v2;
	_ =	sdelay $0x1  }
0x47: {  	s1 =	simm.s32 $0x3100;
	v3 =	vadd.s32 v1, v3  }
0x48: {  	[tilespmem:s1], [sflag:$0x1] =	stream.indirect_vreg.gather [hbm4b:s3+s2], $0x80, v4, vm0, $0xb8;
	[tilespmem:$0x18100] =	vst v63  }
0x49: {  	s1 =	simm.s32 $0x3900  }
0x4a: {  	[tilespmem:s1], [sflag:$0x1] =	stream.indirect_vreg.gather [hbm4b:s5+s2], $0x80, v4, vm1, $0xb8;
	[tilespmem:$0x18100] =	vst v63  }
0x4b: {  	s1 =	simm.s32 $0x3D00  }
0x4c: {  	[tilespmem:s1], [sflag:$0x1] =	stream.indirect_vreg.gather [hbm4b:s3+s2], $0x80, v3, vm0, $0xb8;
	[tilespmem:$0x18100] =	vst v63  }
0x4d: {  	s1 =	simm.s32 $0x4500  }
0x4e: {  	[tilespmem:s1], [sflag:$0x1] =	stream.indirect_vreg.gather [hbm4b:s5+s2], $0x80, v3, vm1, $0xb8;
	[tilespmem:$0x18100] =	vst v63  }
0x4f: {  	v3 =	vld [tilespmem:$0x30];
	_ =	sdelay $0x4  }
0x50: {  	v59 =	vshrl.u32 v3, $0x3  }
0x51: {  	v4 =	vmul.u32 $0x18, v59  }
0x52: {  	v3 =	vand.u32 $0x7, v3  }
0x53: {  	v3 =	vor.u32 v3, v4  }
0x54: {  	v4 =	vperm.xlane v3, v0;
	_ =	sdelay $0x1  }
0x55: {  	v4 =	vadd.s32 v1, v4;
	_ =	sdelay $0x1  }
0x56: {  	v3 =	vperm.xlane v3, v2;
	_ =	sdelay $0x1  }
0x57: {  	s1 =	simm.s32 $0x4900;
	v3 =	vadd.s32 v1, v3  }
0x58: {  	[tilespmem:s1], [sflag:$0x1] =	stream.indirect_vreg.gather [hbm4b:s3+s2], $0x80, v4, vm0, $0xb8;
	[tilespmem:$0x18100] =	vst v63  }
0x59: {  	s1 =	simm.s32 $0x5100  }
0x5a: {  	[tilespmem:s1], [sflag:$0x1] =	stream.indirect_vreg.gather [hbm4b:s5+s2], $0x80, v4, vm1, $0xb8;
	[tilespmem:$0x18100] =	vst v63  }
0x5b: {  	s1 =	simm.s32 $0x5500  }
0x5c: {  	[tilespmem:s1], [sflag:$0x1] =	stream.indirect_vreg.gather [hbm4b:s3+s2], $0x80, v3, vm0, $0xb8;
	[tilespmem:$0x18100] =	vst v63  }
0x5d: {  	s1 =	simm.s32 $0x5D00  }
0x5e: {  	[tilespmem:s1], [sflag:$0x1] =	stream.indirect_vreg.gather [hbm4b:s5+s2], $0x80, v3, vm1, $0xb8;
	[tilespmem:$0x18100] =	vst v63  }
0x5f: {  	v3 =	vld [tilespmem:$0x40];
	_ =	sdelay $0x4  }
0x60: {  	v60 =	vshrl.u32 v3, $0x3  }
0x61: {  	v4 =	vmul.u32 $0x18, v60  }
0x62: {  	v3 =	vand.u32 $0x7, v3  }
0x63: {  	v3 =	vor.u32 v3, v4  }
0x64: {  	v4 =	vperm.xlane v3, v0;
	_ =	sdelay $0x1  }
0x65: {  	v4 =	vadd.s32 v1, v4;
	_ =	sdelay $0x1  }
0x66: {  	v3 =	vperm.xlane v3, v2;
	_ =	sdelay $0x1  }
0x67: {  	s1 =	simm.s32 $0x6100;
	v3 =	vadd.s32 v1, v3  }
0x68: {  	[tilespmem:s1], [sflag:$0x1] =	stream.indirect_vreg.gather [hbm4b:s3+s2], $0x80, v4, vm0, $0xb8;
	[tilespmem:$0x18100] =	vst v63  }
0x69: {  	s1 =	simm.s32 $0x6900  }
0x6a: {  	[tilespmem:s1], [sflag:$0x1] =	stream.indirect_vreg.gather [hbm4b:s5+s2], $0x80, v4, vm1, $0xb8;
	[tilespmem:$0x18100] =	vst v63  }
0x6b: {  	s1 =	simm.s32 $0x6D00  }
0x6c: {  	[tilespmem:s1], [sflag:$0x1] =	stream.indirect_vreg.gather [hbm4b:s3+s2], $0x80, v3, vm0, $0xb8;
	[tilespmem:$0x18100] =	vst v63  }
0x6d: {  	s1 =	simm.s32 $0x7500  }
0x6e: {  	[tilespmem:s1], [sflag:$0x1] =	stream.indirect_vreg.gather [hbm4b:s5+s2], $0x80, v3, vm1, $0xb8;
	[tilespmem:$0x18100] =	vst v63  }
0x6f: {  	v3 =	vld [tilespmem:$0x50];
	_ =	sdelay $0x4  }
0x70: {  	v61 =	vshrl.u32 v3, $0x3  }
0x71: {  	v4 =	vmul.u32 $0x18, v61  }
0x72: {  	v3 =	vand.u32 $0x7, v3  }
0x73: {  	v3 =	vor.u32 v3, v4  }
0x74: {  	v4 =	vperm.xlane v3, v0;
	_ =	sdelay $0x1  }
0x75: {  	v4 =	vadd.s32 v1, v4;
	_ =	sdelay $0x1  }
0x76: {  	v3 =	vperm.xlane v3, v2;
	_ =	sdelay $0x1  }
0x77: {  	s1 =	simm.s32 $0x7900;
	v3 =	vadd.s32 v1, v3  }
0x78: {  	[tilespmem:s1], [sflag:$0x1] =	stream.indirect_vreg.gather [hbm4b:s3+s2], $0x80, v4, vm0, $0xb8;
	[tilespmem:$0x18100] =	vst v63  }
0x79: {  	s1 =	simm.s32 $0x8100  }
0x7a: {  	[tilespmem:s1], [sflag:$0x1] =	stream.indirect_vreg.gather [hbm4b:s5+s2], $0x80, v4, vm1, $0xb8;
	[tilespmem:$0x18100] =	vst v63  }
0x7b: {  	s1 =	simm.s32 $0x8500  }
0x7c: {  	[tilespmem:s1], [sflag:$0x1] =	stream.indirect_vreg.gather [hbm4b:s3+s2], $0x80, v3, vm0, $0xb8;
	[tilespmem:$0x18100] =	vst v63  }
0x7d: {  	s1 =	simm.s32 $0x8D00  }
0x7e: {  	[tilespmem:s1], [sflag:$0x1] =	stream.indirect_vreg.gather [hbm4b:s5+s2], $0x80, v3, vm1, $0xb8;
	[tilespmem:$0x18100] =	vst v63  }
0x7f: {  	v3 =	vld [tilespmem:$0x60];
	_ =	sdelay $0x4  }
0x80: {  	v62 =	vshrl.u32 v3, $0x3  }
0x81: {  	v4 =	vmul.u32 $0x18, v62  }
0x82: {  	v3 =	vand.u32 $0x7, v3  }
0x83: {  	v3 =	vor.u32 v3, v4  }
0x84: {  	v4 =	vperm.xlane v3, v0;
	_ =	sdelay $0x1  }
0x85: {  	v4 =	vadd.s32 v1, v4;
	_ =	sdelay $0x1  }
0x86: {  	v3 =	vperm.xlane v3, v2;
	_ =	sdelay $0x1  }
0x87: {  	s1 =	simm.s32 $0x9100;
	v3 =	vadd.s32 v1, v3  }
0x88: {  	[tilespmem:s1], [sflag:$0x1] =	stream.indirect_vreg.gather [hbm4b:s3+s2], $0x80, v4, vm0, $0xb8;
	[tilespmem:$0x18100] =	vst v63  }
0x89: {  	s1 =	simm.s32 $0x9900  }
0x8a: {  	[tilespmem:s1], [sflag:$0x1] =	stream.indirect_vreg.gather [hbm4b:s5+s2], $0x80, v4, vm1, $0xb8;
	[tilespmem:$0x18100] =	vst v63  }
0x8b: {  	s1 =	simm.s32 $0x9D00  }
0x8c: {  	[tilespmem:s1], [sflag:$0x1] =	stream.indirect_vreg.gather [hbm4b:s3+s2], $0x80, v3, vm0, $0xb8;
	[tilespmem:$0x18100] =	vst v63  }
0x8d: {  	s1 =	simm.s32 $0xA500  }
0x8e: {  	[tilespmem:s1], [sflag:$0x1] =	stream.indirect_vreg.gather [hbm4b:s5+s2], $0x80, v3, vm1, $0xb8;
	[tilespmem:$0x18100] =	vst v63  }
0x8f: {  	v3 =	vld [tilespmem:$0x70];
	_ =	sdelay $0x4  }
0x90: {  	v63 =	vshrl.u32 v3, $0x3  }
0x91: {  	v4 =	vmul.u32 $0x18, v63  }
0x92: {  	v3 =	vand.u32 $0x7, v3  }
0x93: {  	v3 =	vor.u32 v3, v4  }
0x94: {  	v4 =	vperm.xlane v3, v0;
	_ =	sdelay $0x1  }
0x95: {  	v4 =	vadd.s32 v1, v4;
	_ =	sdelay $0x1  }
0x96: {  	v3 =	vperm.xlane v3, v2;
	_ =	sdelay $0x1  }
0x97: {  	s1 =	simm.s32 $0xA900;
	v3 =	vadd.s32 v1, v3  }
0x98: {  	[tilespmem:s1], [sflag:$0x1] =	stream.indirect_vreg.gather [hbm4b:s3+s2], $0x80, v4, vm0, $0xb8;
	[tilespmem:$0x18100] =	vst v63  }
0x99: {  	s1 =	simm.s32 $0xB100  }
0x9a: {  	[tilespmem:s1], [sflag:$0x1] =	stream.indirect_vreg.gather [hbm4b:s5+s2], $0x80, v4, vm1, $0xb8;
	[tilespmem:$0x18100] =	vst v63  }
.Ltmp2:
0x9b: {  	s1 =	simm.s32 $0xB500;
	(pc) =	sbr.rel .LBB2_2-.Ltmp2, $4  }
0x9c: {  	[tilespmem:s1], [sflag:$0x1] =	stream.indirect_vreg.gather [hbm4b:s3+s2], $0x80, v3, vm0, $0xb8;
	[tilespmem:$0x18100] =	vst v63  }
0x9d: {  	s1 =	simm.s32 $0xBD00  }
0x9e: {  	[tilespmem:s1], [sflag:$0x1] =	stream.indirect_vreg.gather [hbm4b:s5+s2], $0x80, v3, vm1, $0xb8;
	[tilespmem:$0x18100] =	vst v63  }
0x9f: {  	s31 =	rddreg [dreg:$0x6];
	s1 =	simm.s32 $0x0  }
.LBB2_4:
0xa0: {  	_ =	swait.ge [sflag:s30], $0xC000;
	s1 =	sadd.s32 $0x20, s1  }
0xa1: {  	[sflag:s30] =	ssyncset.done $0x0;
	p0 =	sne.s32 s1, $0x200  }
.Ltmp3:
0xa2: {  	s0 =	sadd.s32 $0x1800, s31;
	[sflag:s30] =	ssyncadd.s32 $0xFFFF4000;
	(pc) =	sbr.rel @!p0 .LBB2_5-.Ltmp3, $4  }
0xa3: {  	[hbm4b:s0+s2] =	stream.linear.scatter [tilespmem:s20], [sflag:$0x3], $0xC000, $0x38;
	[tilespmem:$0x18100] =	vst v63  }
0xa4: {  	_ =	swait.ge [sflag:s10], $0xC000  }
0xa5: {  	[sflag:s10] =	ssyncset.done $0x0  }
0xa6: {  	s31 =	sadd.s32 $0x3000, s31;
	[sflag:s10] =	ssyncadd.s32 $0xFFFF4000  }
.LBB2_2:
0xa7: {  	s0 =	sadd.s32 s1, s9  }
0xa8: {  	[tilespmem:s6], [sflag:$0x3] =	stream.linear.gather [hbm4b:s0+s2], $0x80, $0x38;
	[tilespmem:$0x18100] =	vst v63  }
0xa9: {  	_ =	swait.ge [sflag:s10], $0x80  }
0xaa: {  	[sflag:s10] =	ssyncset.done $0x0  }
0xab: {  	[sflag:s10] =	ssyncadd.s32 $0xFFFFFF80  }
0xac: {  	v3 =	vld [tilespmem:$0x80];
	_ =	sdelay $0x4  }
0xad: {  	v4 =	vshrl.u32 v3, $0x3  }
0xae: {  	v4 =	vmul.u32 $0x18, v4  }
0xaf: {  	v3 =	vand.u32 $0x7, v3  }
0xb0: {  	v3 =	vor.u32 v3, v4  }
0xb1: {  	v4 =	vperm.xlane v3, v0;
	_ =	sdelay $0x1  }
0xb2: {  	v4 =	vadd.s32 v1, v4;
	_ =	sdelay $0x1  }
0xb3: {  	v3 =	vperm.xlane v3, v2;
	_ =	sdelay $0x1  }
0xb4: {  	v3 =	vadd.s32 v1, v3  }
0xb5: {  	[tilespmem:s20], [sflag:$0x2] =	stream.indirect_vreg.gather [hbm4b:s3+s2], $0x80, v4, vm0, $0xb8;
	[tilespmem:$0x18100] =	vst v63  }
0xb6: {  	s0 =	simm.s32 $0xC900  }
0xb7: {  	[tilespmem:s0], [sflag:$0x2] =	stream.indirect_vreg.gather [hbm4b:s5+s2], $0x80, v4, vm1, $0xb8;
	[tilespmem:$0x18100] =	vst v63  }
0xb8: {  	s0 =	simm.s32 $0xCD00  }
0xb9: {  	[tilespmem:s0], [sflag:$0x2] =	stream.indirect_vreg.gather [hbm4b:s3+s2], $0x80, v3, vm0, $0xb8;
	[tilespmem:$0x18100] =	vst v63  }
0xba: {  	s0 =	simm.s32 $0xD500  }
0xbb: {  	[tilespmem:s0], [sflag:$0x2] =	stream.indirect_vreg.gather [hbm4b:s5+s2], $0x80, v3, vm1, $0xb8;
	[tilespmem:$0x18100] =	vst v63  }
0xbc: {  	v3 =	vld [tilespmem:$0x90];
	_ =	sdelay $0x4  }
0xbd: {  	v57 =	vshrl.u32 v3, $0x3  }
0xbe: {  	v4 =	vmul.u32 $0x18, v57  }
0xbf: {  	v3 =	vand.u32 $0x7, v3  }
0xc0: {  	v3 =	vor.u32 v3, v4  }
0xc1: {  	v4 =	vperm.xlane v3, v0;
	_ =	sdelay $0x1  }
0xc2: {  	v4 =	vadd.s32 v1, v4;
	_ =	sdelay $0x1  }
0xc3: {  	v3 =	vperm.xlane v3, v2;
	_ =	sdelay $0x1  }
0xc4: {  	s0 =	simm.s32 $0xD900;
	v3 =	vadd.s32 v1, v3  }
0xc5: {  	[tilespmem:s0], [sflag:$0x2] =	stream.indirect_vreg.gather [hbm4b:s3+s2], $0x80, v4, vm0, $0xb8;
	[tilespmem:$0x18100] =	vst v63  }
0xc6: {  	s0 =	simm.s32 $0xE100  }
0xc7: {  	[tilespmem:s0], [sflag:$0x2] =	stream.indirect_vreg.gather [hbm4b:s5+s2], $0x80, v4, vm1, $0xb8;
	[tilespmem:$0x18100] =	vst v63  }
0xc8: {  	s0 =	simm.s32 $0xE500  }
0xc9: {  	[tilespmem:s0], [sflag:$0x2] =	stream.indirect_vreg.gather [hbm4b:s3+s2], $0x80, v3, vm0, $0xb8;
	[tilespmem:$0x18100] =	vst v63  }
0xca: {  	s0 =	simm.s32 $0xED00  }
0xcb: {  	[tilespmem:s0], [sflag:$0x2] =	stream.indirect_vreg.gather [hbm4b:s5+s2], $0x80, v3, vm1, $0xb8;
	[tilespmem:$0x18100] =	vst v63  }
0xcc: {  	v3 =	vld [tilespmem:$0xA0];
	_ =	sdelay $0x4  }
0xcd: {  	v58 =	vshrl.u32 v3, $0x3  }
0xce: {  	v4 =	vmul.u32 $0x18, v58  }
0xcf: {  	v3 =	vand.u32 $0x7, v3  }
0xd0: {  	v3 =	vor.u32 v3, v4  }
0xd1: {  	v4 =	vperm.xlane v3, v0;
	_ =	sdelay $0x1  }
0xd2: {  	v4 =	vadd.s32 v1, v4;
	_ =	sdelay $0x1  }
0xd3: {  	v3 =	vperm.xlane v3, v2;
	_ =	sdelay $0x1  }
0xd4: {  	s0 =	simm.s32 $0xF100;
	v3 =	vadd.s32 v1, v3  }
0xd5: {  	[tilespmem:s0], [sflag:$0x2] =	stream.indirect_vreg.gather [hbm4b:s3+s2], $0x80, v4, vm0, $0xb8;
	[tilespmem:$0x18100] =	vst v63  }
0xd6: {  	s0 =	simm.s32 $0xF900  }
0xd7: {  	[tilespmem:s0], [sflag:$0x2] =	stream.indirect_vreg.gather [hbm4b:s5+s2], $0x80, v4, vm1, $0xb8;
	[tilespmem:$0x18100] =	vst v63  }
0xd8: {  	s0 =	simm.s32 $0xFD00  }
0xd9: {  	[tilespmem:s0], [sflag:$0x2] =	stream.indirect_vreg.gather [hbm4b:s3+s2], $0x80, v3, vm0, $0xb8;
	[tilespmem:$0x18100] =	vst v63  }
0xda: {  	s0 =	simm.s32 $0x10500  }
0xdb: {  	[tilespmem:s0], [sflag:$0x2] =	stream.indirect_vreg.gather [hbm4b:s5+s2], $0x80, v3, vm1, $0xb8;
	[tilespmem:$0x18100] =	vst v63  }
0xdc: {  	v3 =	vld [tilespmem:$0xB0];
	_ =	sdelay $0x4  }
0xdd: {  	v59 =	vshrl.u32 v3, $0x3  }
0xde: {  	v4 =	vmul.u32 $0x18, v59  }
0xdf: {  	v3 =	vand.u32 $0x7, v3  }
0xe0: {  	v3 =	vor.u32 v3, v4  }
0xe1: {  	v4 =	vperm.xlane v3, v0;
	_ =	sdelay $0x1  }
0xe2: {  	v4 =	vadd.s32 v1, v4;
	_ =	sdelay $0x1  }
0xe3: {  	v3 =	vperm.xlane v3, v2;
	_ =	sdelay $0x1  }
0xe4: {  	s0 =	simm.s32 $0x10900;
	v3 =	vadd.s32 v1, v3  }
0xe5: {  	[tilespmem:s0], [sflag:$0x2] =	stream.indirect_vreg.gather [hbm4b:s3+s2], $0x80, v4, vm0, $0xb8;
	[tilespmem:$0x18100] =	vst v63  }
0xe6: {  	s0 =	simm.s32 $0x11100  }
0xe7: {  	[tilespmem:s0], [sflag:$0x2] =	stream.indirect_vreg.gather [hbm4b:s5+s2], $0x80, v4, vm1, $0xb8;
	[tilespmem:$0x18100] =	vst v63  }
0xe8: {  	_ = 	snop  }
0xe9: {  	[tilespmem:s8], [sflag:$0x2] =	stream.indirect_vreg.gather [hbm4b:s3+s2], $0x80, v3, vm0, $0xb8;
	[tilespmem:$0x18100] =	vst v63  }
0xea: {  	_ = 	snop  }
0xeb: {  	[tilespmem:s4], [sflag:$0x2] =	stream.indirect_vreg.gather [hbm4b:s5+s2], $0x80, v3, vm1, $0xb8;
	[tilespmem:$0x18100] =	vst v63  }
0xec: {  	v3 =	vld [tilespmem:$0xC0];
	_ =	sdelay $0x4  }
0xed: {  	v60 =	vshrl.u32 v3, $0x3  }
0xee: {  	v4 =	vmul.u32 $0x18, v60  }
0xef: {  	v3 =	vand.u32 $0x7, v3  }
0xf0: {  	v3 =	vor.u32 v3, v4  }
0xf1: {  	v4 =	vperm.xlane v3, v0;
	_ =	sdelay $0x1  }
0xf2: {  	v4 =	vadd.s32 v1, v4;
	_ =	sdelay $0x1  }
0xf3: {  	v3 =	vperm.xlane v3, v2;
	_ =	sdelay $0x1  }
0xf4: {  	v3 =	vadd.s32 v1, v3  }
0xf5: {  	[tilespmem:s12], [sflag:$0x2] =	stream.indirect_vreg.gather [hbm4b:s3+s2], $0x80, v4, vm0, $0xb8;
	[tilespmem:$0x18100] =	vst v63  }
0xf6: {  	_ = 	snop  }
0xf7: {  	[tilespmem:s13], [sflag:$0x2] =	stream.indirect_vreg.gather [hbm4b:s5+s2], $0x80, v4, vm1, $0xb8;
	[tilespmem:$0x18100] =	vst v63  }
0xf8: {  	_ = 	snop  }
0xf9: {  	[tilespmem:s14], [sflag:$0x2] =	stream.indirect_vreg.gather [hbm4b:s3+s2], $0x80, v3, vm0, $0xb8;
	[tilespmem:$0x18100] =	vst v63  }
0xfa: {  	_ = 	snop  }
0xfb: {  	[tilespmem:s15], [sflag:$0x2] =	stream.indirect_vreg.gather [hbm4b:s5+s2], $0x80, v3, vm1, $0xb8;
	[tilespmem:$0x18100] =	vst v63  }
0xfc: {  	v3 =	vld [tilespmem:$0xD0];
	_ =	sdelay $0x4  }
0xfd: {  	v61 =	vshrl.u32 v3, $0x3  }
0xfe: {  	v4 =	vmul.u32 $0x18, v61  }
0xff: {  	v3 =	vand.u32 $0x7, v3  }
0x100: {  	v3 =	vor.u32 v3, v4  }
0x101: {  	v4 =	vperm.xlane v3, v0;
	_ =	sdelay $0x1  }
0x102: {  	v4 =	vadd.s32 v1, v4;
	_ =	sdelay $0x1  }
0x103: {  	v3 =	vperm.xlane v3, v2;
	_ =	sdelay $0x1  }
0x104: {  	v3 =	vadd.s32 v1, v3  }
0x105: {  	[tilespmem:s16], [sflag:$0x2] =	stream.indirect_vreg.gather [hbm4b:s3+s2], $0x80, v4, vm0, $0xb8;
	[tilespmem:$0x18100] =	vst v63  }
0x106: {  	_ = 	snop  }
0x107: {  	[tilespmem:s17], [sflag:$0x2] =	stream.indirect_vreg.gather [hbm4b:s5+s2], $0x80, v4, vm1, $0xb8;
	[tilespmem:$0x18100] =	vst v63  }
0x108: {  	_ = 	snop  }
0x109: {  	[tilespmem:s18], [sflag:$0x2] =	stream.indirect_vreg.gather [hbm4b:s3+s2], $0x80, v3, vm0, $0xb8;
	[tilespmem:$0x18100] =	vst v63  }
0x10a: {  	_ = 	snop  }
0x10b: {  	[tilespmem:s7], [sflag:$0x2] =	stream.indirect_vreg.gather [hbm4b:s5+s2], $0x80, v3, vm1, $0xb8;
	[tilespmem:$0x18100] =	vst v63  }
0x10c: {  	v3 =	vld [tilespmem:$0xE0];
	_ =	sdelay $0x4  }
0x10d: {  	v62 =	vshrl.u32 v3, $0x3  }
0x10e: {  	v4 =	vmul.u32 $0x18, v62  }
0x10f: {  	v3 =	vand.u32 $0x7, v3  }
0x110: {  	v3 =	vor.u32 v3, v4  }
0x111: {  	v4 =	vperm.xlane v3, v0;
	_ =	sdelay $0x1  }
0x112: {  	v4 =	vadd.s32 v1, v4;
	_ =	sdelay $0x1  }
0x113: {  	v3 =	vperm.xlane v3, v2;
	_ =	sdelay $0x1  }
0x114: {  	v3 =	vadd.s32 v1, v3  }
0x115: {  	[tilespmem:s19], [sflag:$0x2] =	stream.indirect_vreg.gather [hbm4b:s3+s2], $0x80, v4, vm0, $0xb8;
	[tilespmem:$0x18100] =	vst v63  }
0x116: {  	_ = 	snop  }
0x117: {  	[tilespmem:s21], [sflag:$0x2] =	stream.indirect_vreg.gather [hbm4b:s5+s2], $0x80, v4, vm1, $0xb8;
	[tilespmem:$0x18100] =	vst v63  }
0x118: {  	_ = 	snop  }
0x119: {  	[tilespmem:s22], [sflag:$0x2] =	stream.indirect_vreg.gather [hbm4b:s3+s2], $0x80, v3, vm0, $0xb8;
	[tilespmem:$0x18100] =	vst v63  }
0x11a: {  	_ = 	snop  }
0x11b: {  	[tilespmem:s23], [sflag:$0x2] =	stream.indirect_vreg.gather [hbm4b:s5+s2], $0x80, v3, vm1, $0xb8;
	[tilespmem:$0x18100] =	vst v63  }
0x11c: {  	v3 =	vld [tilespmem:$0xF0];
	_ =	sdelay $0x4  }
0x11d: {  	v63 =	vshrl.u32 v3, $0x3  }
0x11e: {  	v4 =	vmul.u32 $0x18, v63  }
0x11f: {  	v3 =	vand.u32 $0x7, v3  }
0x120: {  	v3 =	vor.u32 v3, v4  }
0x121: {  	v4 =	vperm.xlane v3, v0;
	_ =	sdelay $0x1  }
0x122: {  	v4 =	vadd.s32 v1, v4;
	_ =	sdelay $0x1  }
0x123: {  	v3 =	vperm.xlane v3, v2;
	_ =	sdelay $0x1  }
0x124: {  	v3 =	vadd.s32 v1, v3  }
0x125: {  	[tilespmem:s24], [sflag:$0x2] =	stream.indirect_vreg.gather [hbm4b:s3+s2], $0x80, v4, vm0, $0xb8;
	[tilespmem:$0x18100] =	vst v63  }
0x126: {  	_ = 	snop  }
0x127: {  	[tilespmem:s25], [sflag:$0x2] =	stream.indirect_vreg.gather [hbm4b:s5+s2], $0x80, v4, vm1, $0xb8;
	[tilespmem:$0x18100] =	vst v63  }
0x128: {  	_ = 	snop  }
0x129: {  	[tilespmem:s26], [sflag:$0x2] =	stream.indirect_vreg.gather [hbm4b:s3+s2], $0x80, v3, vm0, $0xb8;
	[tilespmem:$0x18100] =	vst v63  }
0x12a: {  	_ = 	snop  }
0x12b: {  	[tilespmem:s28], [sflag:$0x2] =	stream.indirect_vreg.gather [hbm4b:s5+s2], $0x80, v3, vm1, $0xb8;
	[tilespmem:$0x18100] =	vst v63  }
0x12c: {  	_ =	swait.ge [sflag:s29], $0xC000  }
0x12d: {  	p0 =	seq.s32 s1, $0x1E0;
	[sflag:s29] =	ssyncset.done $0x0  }
.Ltmp4:
0x12e: {  	[sflag:s29] =	ssyncadd.s32 $0xFFFF4000;
	(pc) =	sbr.rel @p0 .LBB2_4-.Ltmp4, $4  }
0x12f: {  	[hbm4b:s31+s2] =	stream.linear.scatter [tilespmem:s11], [sflag:$0x3], $0xC000, $0x38;
	[tilespmem:$0x18100] =	vst v63  }
0x130: {  	_ =	swait.ge [sflag:s10], $0xC000  }
0x131: {  	[sflag:s10] =	ssyncset.done $0x0  }
0x132: {  	[sflag:s10] =	ssyncadd.s32 $0xFFFF4000  }
0x133: {  	s0 =	rddreg [dreg:$0x5]  }
0x134: {  	s0 =	sadd.s32 s1, s0  }
0x135: {  	[tilespmem:s2], [sflag:$0x3] =	stream.linear.gather [hbm4b:s0+s2], $0x80, $0x38;
	[tilespmem:$0x18100] =	vst v63  }
0x136: {  	_ =	swait.ge [sflag:s10], $0x80  }
0x137: {  	[sflag:s10] =	ssyncset.done $0x0  }
0x138: {  	[sflag:s10] =	ssyncadd.s32 $0xFFFFFF80  }
0x139: {  	v3 =	vld [tilespmem:$0x0];
	_ =	sdelay $0x4  }
0x13a: {  	v4 =	vshrl.u32 v3, $0x3  }
0x13b: {  	v4 =	vmul.u32 $0x18, v4  }
0x13c: {  	v3 =	vand.u32 $0x7, v3  }
0x13d: {  	v3 =	vor.u32 v3, v4  }
0x13e: {  	v4 =	vperm.xlane v3, v0;
	_ =	sdelay $0x1  }
0x13f: {  	v4 =	vadd.s32 v1, v4;
	_ =	sdelay $0x1  }
0x140: {  	v3 =	vperm.xlane v3, v2;
	_ =	sdelay $0x1  }
0x141: {  	v3 =	vadd.s32 v1, v3  }
0x142: {  	[tilespmem:s11], [sflag:$0x1] =	stream.indirect_vreg.gather [hbm4b:s3+s2], $0x80, v4, vm0, $0xb8;
	[tilespmem:$0x18100] =	vst v63  }
0x143: {  	s0 =	simm.s32 $0x900  }
0x144: {  	[tilespmem:s0], [sflag:$0x1] =	stream.indirect_vreg.gather [hbm4b:s5+s2], $0x80, v4, vm1, $0xb8;
	[tilespmem:$0x18100] =	vst v63  }
0x145: {  	s0 =	simm.s32 $0xD00  }
0x146: {  	[tilespmem:s0], [sflag:$0x1] =	stream.indirect_vreg.gather [hbm4b:s3+s2], $0x80, v3, vm0, $0xb8;
	[tilespmem:$0x18100] =	vst v63  }
0x147: {  	s0 =	simm.s32 $0x1500  }
0x148: {  	[tilespmem:s0], [sflag:$0x1] =	stream.indirect_vreg.gather [hbm4b:s5+s2], $0x80, v3, vm1, $0xb8;
	[tilespmem:$0x18100] =	vst v63  }
0x149: {  	v3 =	vld [tilespmem:$0x10];
	_ =	sdelay $0x4  }
0x14a: {  	v57 =	vshrl.u32 v3, $0x3  }
0x14b: {  	v4 =	vmul.u32 $0x18, v57  }
0x14c: {  	v3 =	vand.u32 $0x7, v3  }
0x14d: {  	v3 =	vor.u32 v3, v4  }
0x14e: {  	v4 =	vperm.xlane v3, v0;
	_ =	sdelay $0x1  }
0x14f: {  	v4 =	vadd.s32 v1, v4;
	_ =	sdelay $0x1  }
0x150: {  	v3 =	vperm.xlane v3, v2;
	_ =	sdelay $0x1  }
0x151: {  	s0 =	simm.s32 $0x1900;
	v3 =	vadd.s32 v1, v3  }
0x152: {  	[tilespmem:s0], [sflag:$0x1] =	stream.indirect_vreg.gather [hbm4b:s3+s2], $0x80, v4, vm0, $0xb8;
	[tilespmem:$0x18100] =	vst v63  }
0x153: {  	s0 =	simm.s32 $0x2100  }
0x154: {  	[tilespmem:s0], [sflag:$0x1] =	stream.indirect_vreg.gather [hbm4b:s5+s2], $0x80, v4, vm1, $0xb8;
	[tilespmem:$0x18100] =	vst v63  }
0x155: {  	s0 =	simm.s32 $0x2500  }
0x156: {  	[tilespmem:s0], [sflag:$0x1] =	stream.indirect_vreg.gather [hbm4b:s3+s2], $0x80, v3, vm0, $0xb8;
	[tilespmem:$0x18100] =	vst v63  }
0x157: {  	s0 =	simm.s32 $0x2D00  }
0x158: {  	[tilespmem:s0], [sflag:$0x1] =	stream.indirect_vreg.gather [hbm4b:s5+s2], $0x80, v3, vm1, $0xb8;
	[tilespmem:$0x18100] =	vst v63  }
0x159: {  	v3 =	vld [tilespmem:$0x20];
	_ =	sdelay $0x4  }
0x15a: {  	v58 =	vshrl.u32 v3, $0x3  }
0x15b: {  	v4 =	vmul.u32 $0x18, v58  }
0x15c: {  	v3 =	vand.u32 $0x7, v3  }
0x15d: {  	v3 =	vor.u32 v3, v4  }
0x15e: {  	v4 =	vperm.xlane v3, v0;
	_ =	sdelay $0x1  }
0x15f: {  	v4 =	vadd.s32 v1, v4;
	_ =	sdelay $0x1  }
0x160: {  	v3 =	vperm.xlane v3, v2;
	_ =	sdelay $0x1  }
0x161: {  	s0 =	simm.s32 $0x3100;
	v3 =	vadd.s32 v1, v3  }
0x162: {  	[tilespmem:s0], [sflag:$0x1] =	stream.indirect_vreg.gather [hbm4b:s3+s2], $0x80, v4, vm0, $0xb8;
	[tilespmem:$0x18100] =	vst v63  }
0x163: {  	s0 =	simm.s32 $0x3900  }
0x164: {  	[tilespmem:s0], [sflag:$0x1] =	stream.indirect_vreg.gather [hbm4b:s5+s2], $0x80, v4, vm1, $0xb8;
	[tilespmem:$0x18100] =	vst v63  }
0x165: {  	s0 =	simm.s32 $0x3D00  }
0x166: {  	[tilespmem:s0], [sflag:$0x1] =	stream.indirect_vreg.gather [hbm4b:s3+s2], $0x80, v3, vm0, $0xb8;
	[tilespmem:$0x18100] =	vst v63  }
0x167: {  	s0 =	simm.s32 $0x4500  }
0x168: {  	[tilespmem:s0], [sflag:$0x1] =	stream.indirect_vreg.gather [hbm4b:s5+s2], $0x80, v3, vm1, $0xb8;
	[tilespmem:$0x18100] =	vst v63  }
0x169: {  	v3 =	vld [tilespmem:$0x30];
	_ =	sdelay $0x4  }
0x16a: {  	v59 =	vshrl.u32 v3, $0x3  }
0x16b: {  	v4 =	vmul.u32 $0x18, v59  }
0x16c: {  	v3 =	vand.u32 $0x7, v3  }
0x16d: {  	v3 =	vor.u32 v3, v4  }
0x16e: {  	v4 =	vperm.xlane v3, v0;
	_ =	sdelay $0x1  }
0x16f: {  	v4 =	vadd.s32 v1, v4;
	_ =	sdelay $0x1  }
0x170: {  	v3 =	vperm.xlane v3, v2;
	_ =	sdelay $0x1  }
0x171: {  	s0 =	simm.s32 $0x4900;
	v3 =	vadd.s32 v1, v3  }
0x172: {  	[tilespmem:s0], [sflag:$0x1] =	stream.indirect_vreg.gather [hbm4b:s3+s2], $0x80, v4, vm0, $0xb8;
	[tilespmem:$0x18100] =	vst v63  }
0x173: {  	s0 =	simm.s32 $0x5100  }
0x174: {  	[tilespmem:s0], [sflag:$0x1] =	stream.indirect_vreg.gather [hbm4b:s5+s2], $0x80, v4, vm1, $0xb8;
	[tilespmem:$0x18100] =	vst v63  }
0x175: {  	s0 =	simm.s32 $0x5500  }
0x176: {  	[tilespmem:s0], [sflag:$0x1] =	stream.indirect_vreg.gather [hbm4b:s3+s2], $0x80, v3, vm0, $0xb8;
	[tilespmem:$0x18100] =	vst v63  }
0x177: {  	s0 =	simm.s32 $0x5D00  }
0x178: {  	[tilespmem:s0], [sflag:$0x1] =	stream.indirect_vreg.gather [hbm4b:s5+s2], $0x80, v3, vm1, $0xb8;
	[tilespmem:$0x18100] =	vst v63  }
0x179: {  	v3 =	vld [tilespmem:$0x40];
	_ =	sdelay $0x4  }
0x17a: {  	v60 =	vshrl.u32 v3, $0x3  }
0x17b: {  	v4 =	vmul.u32 $0x18, v60  }
0x17c: {  	v3 =	vand.u32 $0x7, v3  }
0x17d: {  	v3 =	vor.u32 v3, v4  }
0x17e: {  	v4 =	vperm.xlane v3, v0;
	_ =	sdelay $0x1  }
0x17f: {  	v4 =	vadd.s32 v1, v4;
	_ =	sdelay $0x1  }
0x180: {  	v3 =	vperm.xlane v3, v2;
	_ =	sdelay $0x1  }
0x181: {  	s0 =	simm.s32 $0x6100;
	v3 =	vadd.s32 v1, v3  }
0x182: {  	[tilespmem:s0], [sflag:$0x1] =	stream.indirect_vreg.gather [hbm4b:s3+s2], $0x80, v4, vm0, $0xb8;
	[tilespmem:$0x18100] =	vst v63  }
0x183: {  	s0 =	simm.s32 $0x6900  }
0x184: {  	[tilespmem:s0], [sflag:$0x1] =	stream.indirect_vreg.gather [hbm4b:s5+s2], $0x80, v4, vm1, $0xb8;
	[tilespmem:$0x18100] =	vst v63  }
0x185: {  	s0 =	simm.s32 $0x6D00  }
0x186: {  	[tilespmem:s0], [sflag:$0x1] =	stream.indirect_vreg.gather [hbm4b:s3+s2], $0x80, v3, vm0, $0xb8;
	[tilespmem:$0x18100] =	vst v63  }
0x187: {  	s0 =	simm.s32 $0x7500  }
0x188: {  	[tilespmem:s0], [sflag:$0x1] =	stream.indirect_vreg.gather [hbm4b:s5+s2], $0x80, v3, vm1, $0xb8;
	[tilespmem:$0x18100] =	vst v63  }
0x189: {  	v3 =	vld [tilespmem:$0x50];
	_ =	sdelay $0x4  }
0x18a: {  	v61 =	vshrl.u32 v3, $0x3  }
0x18b: {  	v4 =	vmul.u32 $0x18, v61  }
0x18c: {  	v3 =	vand.u32 $0x7, v3  }
0x18d: {  	v3 =	vor.u32 v3, v4  }
0x18e: {  	v4 =	vperm.xlane v3, v0;
	_ =	sdelay $0x1  }
0x18f: {  	v4 =	vadd.s32 v1, v4;
	_ =	sdelay $0x1  }
0x190: {  	v3 =	vperm.xlane v3, v2;
	_ =	sdelay $0x1  }
0x191: {  	s0 =	simm.s32 $0x7900;
	v3 =	vadd.s32 v1, v3  }
0x192: {  	[tilespmem:s0], [sflag:$0x1] =	stream.indirect_vreg.gather [hbm4b:s3+s2], $0x80, v4, vm0, $0xb8;
	[tilespmem:$0x18100] =	vst v63  }
0x193: {  	s0 =	simm.s32 $0x8100  }
0x194: {  	[tilespmem:s0], [sflag:$0x1] =	stream.indirect_vreg.gather [hbm4b:s5+s2], $0x80, v4, vm1, $0xb8;
	[tilespmem:$0x18100] =	vst v63  }
0x195: {  	s0 =	simm.s32 $0x8500  }
0x196: {  	[tilespmem:s0], [sflag:$0x1] =	stream.indirect_vreg.gather [hbm4b:s3+s2], $0x80, v3, vm0, $0xb8;
	[tilespmem:$0x18100] =	vst v63  }
0x197: {  	s0 =	simm.s32 $0x8D00  }
0x198: {  	[tilespmem:s0], [sflag:$0x1] =	stream.indirect_vreg.gather [hbm4b:s5+s2], $0x80, v3, vm1, $0xb8;
	[tilespmem:$0x18100] =	vst v63  }
0x199: {  	v3 =	vld [tilespmem:$0x60];
	_ =	sdelay $0x4  }
0x19a: {  	v62 =	vshrl.u32 v3, $0x3  }
0x19b: {  	v4 =	vmul.u32 $0x18, v62  }
0x19c: {  	v3 =	vand.u32 $0x7, v3  }
0x19d: {  	v3 =	vor.u32 v3, v4  }
0x19e: {  	v4 =	vperm.xlane v3, v0;
	_ =	sdelay $0x1  }
0x19f: {  	v4 =	vadd.s32 v1, v4;
	_ =	sdelay $0x1  }
0x1a0: {  	v3 =	vperm.xlane v3, v2;
	_ =	sdelay $0x1  }
0x1a1: {  	s0 =	simm.s32 $0x9100;
	v3 =	vadd.s32 v1, v3  }
0x1a2: {  	[tilespmem:s0], [sflag:$0x1] =	stream.indirect_vreg.gather [hbm4b:s3+s2], $0x80, v4, vm0, $0xb8;
	[tilespmem:$0x18100] =	vst v63  }
0x1a3: {  	s0 =	simm.s32 $0x9900  }
0x1a4: {  	[tilespmem:s0], [sflag:$0x1] =	stream.indirect_vreg.gather [hbm4b:s5+s2], $0x80, v4, vm1, $0xb8;
	[tilespmem:$0x18100] =	vst v63  }
0x1a5: {  	s0 =	simm.s32 $0x9D00  }
0x1a6: {  	[tilespmem:s0], [sflag:$0x1] =	stream.indirect_vreg.gather [hbm4b:s3+s2], $0x80, v3, vm0, $0xb8;
	[tilespmem:$0x18100] =	vst v63  }
0x1a7: {  	s0 =	simm.s32 $0xA500  }
0x1a8: {  	[tilespmem:s0], [sflag:$0x1] =	stream.indirect_vreg.gather [hbm4b:s5+s2], $0x80, v3, vm1, $0xb8;
	[tilespmem:$0x18100] =	vst v63  }
0x1a9: {  	v3 =	vld [tilespmem:$0x70];
	_ =	sdelay $0x4  }
0x1aa: {  	v63 =	vshrl.u32 v3, $0x3  }
0x1ab: {  	v4 =	vmul.u32 $0x18, v63  }
0x1ac: {  	v3 =	vand.u32 $0x7, v3  }
0x1ad: {  	v3 =	vor.u32 v3, v4  }
0x1ae: {  	v4 =	vperm.xlane v3, v0;
	_ =	sdelay $0x1  }
0x1af: {  	v4 =	vadd.s32 v1, v4;
	_ =	sdelay $0x2  }
0x1b0: {  	v3 =	vperm.xlane v3, v2  }
0x1b1: {  	s0 =	simm.s32 $0xA900  }
0x1b2: {  	v3 =	vadd.s32 v1, v3;
	[tilespmem:s0], [sflag:$0x1] =	stream.indirect_vreg.gather [hbm4b:s3+s2], $0x80, v4, vm0, $0xb8;
	[tilespmem:$0x18100] =	vst v63  }
0x1b3: {  	s0 =	simm.s32 $0xB100  }
0x1b4: {  	[tilespmem:s0], [sflag:$0x1] =	stream.indirect_vreg.gather [hbm4b:s5+s2], $0x80, v4, vm1, $0xb8;
	[tilespmem:$0x18100] =	vst v63  }
.Ltmp5:
0x1b5: {  	_ = 	snop;
	(pc) =	sbr.rel .LBB2_4-.Ltmp5, $4  }
0x1b6: {  	s0 =	simm.s32 $0xB500  }
0x1b7: {  	[tilespmem:s0], [sflag:$0x1] =	stream.indirect_vreg.gather [hbm4b:s3+s2], $0x80, v3, vm0, $0xb8;
	[tilespmem:$0x18100] =	vst v63  }
0x1b8: {  	s0 =	simm.s32 $0xBD00  }
0x1b9: {  	[tilespmem:s0], [sflag:$0x1] =	stream.indirect_vreg.gather [hbm4b:s5+s2], $0x80, v3, vm1, $0xb8;
	[tilespmem:$0x18100] =	vst v63  }
.LBB2_6:
0x1ba: {  	_ =	sfence.sel $0x180000  }
0x1bb: {  	[bflag:$0x0] =	sbarrier.arrive $0xFFFF  }
0x1bc: {  	_ =	strace $0x90000047  }
0x1bd: {  	s0 =	stileid.u32;
	[bflag:$0x2] =	sbarrier.arrive $0xFFFF  }
0x1be: {  	p0 =	sne.s32 s0, $0x0;
	s0 =	rddreg [dreg:$0x2]  }
0x1bf: {  	s0 =	sadd.s32 @!p0 $0x100000, s0  }
0x1c0: {  	[sflag:s0] =	ssyncadd.tile.s32 @!p0 $0x1;
	_ =	shalt  }
.Lfunc_end2:
_tile_overlayer_lowered:
.L_overlay_start_2:
0x1c1: {  	(tag) =	ssettag $0x2  }
0x1c2: {  	s0 =	rddreg [dreg:$0x0];
	s2 =	stileid.u32  }
0x1c3: {  	s1 =	rddreg [dreg:$0x1];
	p0 =	sne.s32 s2, $0x0  }
0x1c4: {  	s3 =	rddreg [dreg:$0x2];
	[bflag:$0x3] =	sbarrier.arrive $0xFFFF;
	s2 =	simm.s32 @!p0 $0x1C03  }
0x1c5: {  	[timem:s3], [sflag:s2] =	dma.local @!p0 [hbm:s0], s1  }
0x1c6: {  	s0 =	simm.s32 @!p0 $0x3  }
0x1c7: {  	_ =	swait.ge @!p0 [sflag:s0], s1  }
0x1c8: {  	s1 =	ssub.s32 @!p0 $0x0, s1;
	[sflag:s0] =	ssyncset.done @!p0 $0x0  }
0x1c9: {  	[sflag:s0] =	ssyncadd.s32 @!p0 s1  }
0x1ca: {  	[bflag:$0x3] =	sbarrier.arrive $0xFFFF  }
0x1cb: {  	_ =	shalt  }

</sc_bundles>
